<compile_context>
chip_gen: v7x
topology: tpu7x:2x2x1
jax: 0.10.2.dev20260603
libtpu: 0.0.44.dev20260713+nightly
codegen_flags: <defaults>
</compile_context>

<pallas_src>
import functools
import math

import jax
import jax.numpy as jnp
from jax import lax
from jax.experimental import pallas as pl
from jax.experimental.pallas import tpu as pltpu
from jax.experimental.pallas import tpu_sc as plsc

_NC = 2
_NS = 16
_NW = _NC * _NS
_CHUNK = 128

_PACK_NC = 32768
_PACK_Q = _PACK_NC // 4


def _pack_rows(V):
    tail = V - (V // _PACK_NC) * _PACK_NC
    return (V // _PACK_NC) * _PACK_Q + tail


_HI_MASK = -65536


def _pack_bf16(xhi, xlo):
    rb = lambda x: lax.bitcast_convert_type(x, jnp.int32) + 32768
    hi = lax.bitwise_and(rb(xhi), _HI_MASK)
    lo = lax.shift_right_logical(rb(xlo), 16)
    return lax.bitcast_convert_type(lax.bitwise_or(hi, lo), jnp.float32)


def _unpack_bf16(pk):
    pki = lax.bitcast_convert_type(pk, jnp.int32)
    hi = lax.bitcast_convert_type(lax.bitwise_and(pki, _HI_MASK), jnp.float32)
    lo = lax.bitcast_convert_type(lax.shift_left(pki, 16), jnp.float32)
    return hi, lo


def _pack_body(wt_ref, out_ref):
    Q = _PACK_Q
    xt = wt_ref[...].T
    a = _pack_bf16(xt[:Q], xt[Q:2 * Q])
    b = _pack_bf16(xt[2 * Q:3 * Q], xt[3 * Q:])
    out_ref[...] = jnp.concatenate([a, b], axis=1)


def _tc_pack(weightT):
    D, V = weightT.shape
    return pl.pallas_call(
        _pack_body,
        grid=(pl.cdiv(V, _PACK_NC),),
        in_specs=[pl.BlockSpec((D, _PACK_NC), lambda j: (0, j))],
        out_specs=pl.BlockSpec((_PACK_Q, 2 * D), lambda j: (j, 0)),
        out_shape=jax.ShapeDtypeStruct((_pack_rows(V), 2 * D), jnp.float32),
        compiler_params=pltpu.CompilerParams(
            dimension_semantics=("arbitrary",),
        ),
    )(weightT)


def _sc_offsets(bias, nlp, target, samples, log_ns):
    B = target.shape[0]
    S = samples.shape[0]
    sh_q = _PACK_Q.bit_length() - 1
    mesh = plsc.VectorSubcoreMesh(core_axis_name="c", subcore_axis_name="s")

    @functools.partial(
        pl.kernel,
        mesh=mesh,
        out_type=[
            jax.ShapeDtypeStruct((B,), jnp.float32),
            jax.ShapeDtypeStruct((S,), jnp.float32),
            jax.ShapeDtypeStruct((B,), jnp.float32),
            jax.ShapeDtypeStruct((S,), jnp.float32),
        ],
        scratch_types=[
            pltpu.VMEM((_CHUNK,), jnp.int32),
            pltpu.VMEM((_CHUNK,), jnp.float32),
            pltpu.VMEM((_CHUNK,), jnp.float32),
            pltpu.VMEM((_CHUNK,), jnp.float32),
            pltpu.VMEM((_CHUNK,), jnp.float32),
            pltpu.SemaphoreType.DMA,
        ],
        compiler_params=pltpu.CompilerParams(use_tc_tiling_on_sc=False),
    )
    def offsets_kernel(bias_hbm, nlp_hbm, target_hbm, samples_hbm,
                       toff_hbm, soff_hbm, tpar_hbm, spar_hbm,
                       idx_v, b_v, n_v, o_v, p_v, sem):
        wid = lax.axis_index("s") * _NC + lax.axis_index("c")

        def do_chunk(idx_hbm, off_out, par_out, base):
            pltpu.sync_copy(idx_hbm.at[pl.ds(base, _CHUNK)], idx_v)
            pltpu.async_copy(bias_hbm.at[idx_v], b_v, sem).wait()
            pltpu.async_copy(nlp_hbm.at[idx_v], n_v, sem).wait()
            for k in range(_CHUNK // 16):
                sl = pl.ds(k * 16, 16)
                c = idx_v[sl]
                o_v[sl] = b_v[sl] - (n_v[sl] + log_ns)
                p_v[sl] = lax.convert_element_type(
                    lax.bitwise_and(lax.shift_right_logical(c, sh_q), 3),
                    jnp.float32)
            pltpu.sync_copy(o_v, off_out.at[pl.ds(base, _CHUNK)])
            pltpu.sync_copy(p_v, par_out.at[pl.ds(base, _CHUNK)])

        for c in range(B // (_NW * _CHUNK)):
            do_chunk(target_hbm, toff_hbm, tpar_hbm,
                     wid * (B // _NW) + c * _CHUNK)
        for c in range(S // (_NW * _CHUNK)):
            do_chunk(samples_hbm, soff_hbm, spar_hbm,
                     wid * (S // _NW) + c * _CHUNK)

    return offsets_kernel(bias, nlp, target, samples)


def _sc_gather(w2, target, samples):
    D2 = w2.shape[1]
    B = target.shape[0]
    S = samples.shape[0]
    sh_blk = _PACK_NC.bit_length() - 1
    sh_q = _PACK_Q.bit_length() - 1
    mesh = plsc.VectorSubcoreMesh(core_axis_name="c", subcore_axis_name="s")

    @functools.partial(
        pl.kernel,
        mesh=mesh,
        out_type=[
            jax.ShapeDtypeStruct((B, D2), jnp.float32),
            jax.ShapeDtypeStruct((S, D2), jnp.float32),
        ],
        scratch_types=[
            pltpu.VMEM((_CHUNK,), jnp.int32),
            pltpu.VMEM((_CHUNK,), jnp.int32),
            pltpu.VMEM((_CHUNK, D2), jnp.float32),
            pltpu.SemaphoreType.DMA,
        ],
        compiler_params=pltpu.CompilerParams(use_tc_tiling_on_sc=False),
    )
    def gather_kernel(w2_hbm, target_hbm, samples_hbm,
                      trows_hbm, srows_hbm,
                      idx_v, slot_v, rows_v, sem):
        wid = lax.axis_index("s") * _NC + lax.axis_index("c")

        def do_chunk(idx_hbm, rows_out, base):
            pltpu.sync_copy(idx_hbm.at[pl.ds(base, _CHUNK)], idx_v)
            for k in range(_CHUNK // 16):
                sl = pl.ds(k * 16, 16)
                c = idx_v[sl]
                slot_v[sl] = lax.bitwise_or(
                    lax.shift_left(lax.shift_right_logical(c, sh_blk),
                                   sh_q),
                    lax.bitwise_and(c, _PACK_Q - 1))
            pltpu.async_copy(w2_hbm.at[slot_v], rows_v, sem).wait()
            pltpu.sync_copy(rows_v, rows_out.at[pl.ds(base, _CHUNK)])

        for c in range(B // (_NW * _CHUNK)):
            do_chunk(target_hbm, trows_hbm, wid * (B // _NW) + c * _CHUNK)
        for c in range(S // (_NW * _CHUNK)):
            do_chunk(samples_hbm, srows_hbm, wid * (S // _NW) + c * _CHUNK)

    return gather_kernel(w2, target, samples)


_LOG2E = 1.4426950408889634
_LN2 = 0.6931471805599453


def _softplus_neg_abs(x):
    p = jnp.exp2(jnp.abs(x) * (-_LOG2E))
    return _LN2 * jnp.log2(1.0 + p)


def _tc_loss_T_body(se_ref, dt_ref, tt_ref, to_ref, tp_ref, so_ref, sp_ref,
                    out_ref):
    j = pl.program_id(0)
    D = dt_ref.shape[0]
    dt = dt_ref[...]
    se = se_ref[...]
    q = sp_ref[...].T
    hi_l, lo_l = _unpack_bf16(se[:, :D])
    hi_u, lo_u = _unpack_bf16(se[:, D:])
    emb = jnp.where(q < 1.5,
                    jnp.where(q < 0.5, hi_l, lo_l),
                    jnp.where(q < 2.5, hi_u, lo_u))
    mm = lax.dot_general(emb, dt,
                         dimension_numbers=(((1,), (0,)), ((), ())),
                         preferred_element_type=jnp.float32)
    sl = mm + so_ref[...].T
    out_ref[...] = jnp.maximum(sl, 0.0) + _softplus_neg_abs(sl)

    @pl.when(j == 0)
    def _():
        tt = tt_ref[...]
        tq = tp_ref[...]
        thi_l, tlo_l = _unpack_bf16(tt[:D, :])
        thi_u, tlo_u = _unpack_bf16(tt[D:, :])
        temb = jnp.where(tq < 1.5,
                         jnp.where(tq < 0.5, thi_l, tlo_l),
                         jnp.where(tq < 2.5, thi_u, tlo_u))
        tl = jnp.sum(dt * temb, axis=0, keepdims=True)
        tl = tl + to_ref[...]
        out_ref[0:1, :] = jnp.maximum(tl, 0.0) - tl + _softplus_neg_abs(tl)


def _tc_loss_T(dataT, srows_p, soff_p, spar_p, trowsT, toff_row, tpar_row,
               bt=512):
    D, B = dataT.shape
    D2 = srows_p.shape[1]
    S1 = srows_p.shape[0]
    return pl.pallas_call(
        _tc_loss_T_body,
        grid=(pl.cdiv(S1, bt),),
        in_specs=[
            pl.BlockSpec((bt, D2), lambda j: (j, 0)),
            pl.BlockSpec((D, B), lambda j: (0, 0)),
            pl.BlockSpec((D2, B), lambda j: (0, 0)),
            pl.BlockSpec((1, B), lambda j: (0, 0)),
            pl.BlockSpec((1, B), lambda j: (0, 0)),
            pl.BlockSpec((1, bt), lambda j: (0, j)),
            pl.BlockSpec((1, bt), lambda j: (0, j)),
        ],
        out_specs=pl.BlockSpec((bt, B), lambda j: (j, 0)),
        out_shape=jax.ShapeDtypeStruct((S1, B), jnp.float32),
        compiler_params=pltpu.CompilerParams(
            dimension_semantics=("arbitrary",),
        ),
    )(srows_p, dataT, trowsT, toff_row, tpar_row, soff_p, spar_p)


def kernel(data, target, samples, weight, bias, noise_log_probs):
    B = data.shape[0]
    S = samples.shape[0]
    log_ns = math.log(S)
    ti = target.astype(jnp.int32)
    si = samples.astype(jnp.int32)
    toff, soff, tpar, spar = _sc_offsets(bias, noise_log_probs, ti, si,
                                         log_ns)
    w2 = _tc_pack(weight.T)
    trows, srows = _sc_gather(w2, ti, si)
    srows_p = jnp.pad(srows, ((1, 0), (0, 0)))
    soff_p = jnp.pad(soff, (1, 0)).reshape(1, S + 1)
    spar_p = jnp.pad(spar, (1, 0)).reshape(1, S + 1)
    out_T = _tc_loss_T(data.T, srows_p, soff_p, spar_p, trows.T,
                       toff.reshape(1, B), tpar.reshape(1, B))
    return out_T.T

# --- scband reference (transcript-rebuilt; emitter-appended) ---
"""Pipeline reference for scband-noise-contrastive-estimation-loss-v1-53738630808087 (READ-ONLY COPY).

The authoritative reference and input builder live on the scoring server;
editing this copy changes nothing except your own understanding.
"""

import jax, jax.numpy as jnp
import numpy as np
import math

B, D, V, S = 4096, 64, 1000000, 8192

def setup_inputs(seed: int = 0) -> dict:
    key = jax.random.key(seed)
    ks = jax.random.split(key, 6)
    data = jax.random.normal(ks[0], (B, D), dtype=jnp.float32)
    weight = jax.random.normal(ks[1], (V, D), dtype=jnp.float32) * 0.02
    bias = jax.random.normal(ks[2], (V,), dtype=jnp.float32) * 0.02
    # log-probabilities of the noise distribution over the vocab (stand-in for
    # noise_distribution_sampler.log_prob); treated as constants (torch.no_grad).
    noise_log_probs = -jnp.log(float(V)) + 0.1 * jax.random.normal(ks[3], (V,), dtype=jnp.float32)
    target = jax.random.randint(ks[4], (B,), 0, V)
    # pre-drawn noise samples (stand-in for noise_distribution_sampler.sample(num_samples))
    samples = jax.random.randint(ks[5], (S,), 0, V)
    return {"data": data, "target": target, "samples": samples,
            "weight": weight, "bias": bias, "noise_log_probs": noise_log_probs}


def reference(data, target, samples, weight, bias, noise_log_probs):
    num_samples = samples.shape[0]
    batch = data.shape[0]
    log_ns = math.log(num_samples)
    # torch.no_grad() block: sampler log-probs are constants
    sampled_prob = log_ns + jnp.take(noise_log_probs, samples)
    true_sample_prob = log_ns + jnp.take(noise_log_probs, target)
    all_classes = jnp.concatenate([target, samples], axis=0)
    all_emb = jnp.take(weight, all_classes, axis=0)            # F.embedding(all_classes, weight)
    all_b = jnp.take(bias, all_classes)[:, None]               # F.embedding(all_classes, bias.unsqueeze(1))
    true_emb = all_emb[:batch]
    true_b = all_b[:batch]
    sampled_emb = all_emb[batch:batch + num_samples]
    sampled_b = all_b[batch:batch + num_samples][:, 0]
    sampled_logits = jnp.matmul(data, sampled_emb.T)
    true_logits = jnp.sum(data * true_emb, axis=1, keepdims=True)
    true_logits = true_logits + true_b
    sampled_logits = sampled_logits + sampled_b[None, :]
    # log_norm_term is None -> skipped
    true_logits = true_logits - true_sample_prob[:, None]
    sampled_logits = sampled_logits - sampled_prob[None, :]
    out_logits = jnp.concatenate([true_logits, sampled_logits], axis=1)
    targets = jnp.concatenate([jnp.ones_like(true_logits), jnp.zeros_like(sampled_logits)], axis=1)
    # BCEWithLogitsLoss(reduction='none'), numerically-stable form
    loss = jnp.maximum(out_logits, 0.0) - out_logits * targets + jnp.log1p(jnp.exp(-jnp.abs(out_logits)))
    return loss

if __name__ == "__main__":
    import jax
    _d = setup_inputs()
    print(jax.jit(kernel)(*tuple(_d.values())))

</pallas_src>

<mosaic_0001>
#map = affine_map<(d0, d1) -> (0, 0)>
#map1 = affine_map<(d0, d1) -> (0)>
module attributes {stable_mosaic.version = 14 : i64} {
  func.func @gather_kernel(%arg0: i32, %arg1: i32, %arg2: memref<262720x128xf32, #tpu.memory_space<hbm>>, %arg3: memref<4096xi32, #tpu.memory_space<hbm>>, %arg4: memref<8192xi32, #tpu.memory_space<hbm>>, %arg5: memref<4096x128xf32, #tpu.memory_space<hbm>>, %arg6: memref<8192x128xf32, #tpu.memory_space<hbm>>, %arg7: memref<128xi32, #tpu.memory_space<vmem>>, %arg8: memref<128xi32, #tpu.memory_space<vmem>>, %arg9: memref<128x128xf32, #tpu.memory_space<vmem>>, %arg10: memref<!tpu.dma_semaphore, #tpu.memory_space<semaphore_mem>>) attributes {dimension_semantics = [#tpu.dimension_semantics<core_parallel>, #tpu.dimension_semantics<subcore_parallel>], iteration_bounds = array<i64: 2, 16>, scalar_prefetch = 0 : i64, scratch_operands = 4 : i64, tpu.core_type = #tpu.core_type<sc_vector_subcore>, window_params = [{transform_indices = #map}, {transform_indices = #map1}, {transform_indices = #map1}, {transform_indices = #map}, {transform_indices = #map}]} {
    %mul3A = arith.constant 2 : i32
    %mul3A_0 = arith.muli %arg1, %mul3A : i32
    %add3A = arith.addi %mul3A_0, %arg0 : i32
    %mul3A_1 = arith.constant 128 : i32
    %mul3A_2 = arith.muli %add3A, %mul3A_1 : i32
    %add3A_3 = arith.constant 0 : i32
    %add3A_4 = arith.addi %mul3A_2, %add3A_3 : i32
    "tpu.region"() ({
      %run_scoped3A = tpu.sem_alloc : memref<!tpu.dma_semaphore, #tpu.memory_space<semaphore_mem>>
      %dma_start3A_431 = tpu.memref_slice %arg3[%add3A_4] : memref<4096xi32, #tpu.memory_space<hbm>> -> memref<128xi32, #tpu.memory_space<hbm>>
      %dma_start3A_432 = tpu.memref_slice %arg3[%add3A_4] : memref<4096xi32, #tpu.memory_space<hbm>> -> memref<128xi32, #tpu.memory_space<hbm>>
      tpu.enqueue_dma source(%dma_start3A_432 : memref<128xi32, #tpu.memory_space<hbm>>) target(%arg7 : memref<128xi32, #tpu.memory_space<vmem>>) target_semaphore(%run_scoped3A : memref<!tpu.dma_semaphore, #tpu.memory_space<semaphore_mem>>)
      %dma_wait3A_433 = tpu.memref_slice %arg3[%add3A_4] : memref<4096xi32, #tpu.memory_space<hbm>> -> memref<128xi32, #tpu.memory_space<hbm>>
      %dma_wait3A_434 = tpu.memref_slice %arg3[%add3A_4] : memref<4096xi32, #tpu.memory_space<hbm>> -> memref<128xi32, #tpu.memory_space<hbm>>
      tpu.wait_dma2 semaphore(%run_scoped3A : memref<!tpu.dma_semaphore, #tpu.memory_space<semaphore_mem>>) src(%dma_wait3A_434 : memref<128xi32, #tpu.memory_space<hbm>>) dst(%arg7 : memref<128xi32, #tpu.memory_space<vmem>>)
      tpu.yield
    }) : () -> ()
    %get3A = arith.constant 0 : index
    %get3A_5 = tpu.vector_load %arg7[%get3A] {strides = array<i32>} : memref<128xi32, #tpu.memory_space<vmem>>, vector<16xi32>,
    %get3A_6 = vector.shape_cast %get3A_5 : vector<16xi32> to vector<16xi32>
    %shift_right_logical3A = arith.constant 15 : i32
    %shift_right_logical3A_7 = vector.broadcast %shift_right_logical3A : i32 to vector<16xi32>
    %shift_right_logical3A_8 = arith.shrui %get3A_6, %shift_right_logical3A_7 : vector<16xi32>
    %shift_left3A = arith.constant 13 : i32
    %shift_left3A_9 = vector.broadcast %shift_left3A : i32 to vector<16xi32>
    %shift_left3A_10 = arith.shli %shift_right_logical3A_8, %shift_left3A_9 : vector<16xi32>
    %and3A = arith.constant 8191 : i32
    %and3A_11 = vector.broadcast %and3A : i32 to vector<16xi32>
    %and3A_12 = arith.andi %get3A_6, %and3A_11 : vector<16xi32>
    %or3A = arith.ori %shift_left3A_10, %and3A_12 : vector<16xi32>
    %swap3A = arith.constant 0 : index
    %swap3A_13 = tpu.vector_load %arg8[%swap3A] {strides = array<i32>} : memref<128xi32, #tpu.memory_space<vmem>>, vector<16xi32>,
    %swap3A_14 = vector.shape_cast %swap3A_13 : vector<16xi32> to vector<16xi32>
    %swap3A_15 = vector.shape_cast %or3A : vector<16xi32> to vector<16xi32>
    tpu.vector_store %arg8[%swap3A], %swap3A_15 {strides = array<i32>} : memref<128xi32, #tpu.memory_space<vmem>>, vector<16xi32>,
    %get3A_16 = arith.constant 16 : index
    %get3A_17 = tpu.vector_load %arg7[%get3A_16] {strides = array<i32>} : memref<128xi32, #tpu.memory_space<vmem>>, vector<16xi32>,
    %get3A_18 = vector.shape_cast %get3A_17 : vector<16xi32> to vector<16xi32>
    %shift_right_logical3A_19 = arith.constant 15 : i32
    %shift_right_logical3A_20 = vector.broadcast %shift_right_logical3A_19 : i32 to vector<16xi32>
    %shift_right_logical3A_21 = arith.shrui %get3A_18, %shift_right_logical3A_20 : vector<16xi32>
    %shift_left3A_22 = arith.constant 13 : i32
    %shift_left3A_23 = vector.broadcast %shift_left3A_22 : i32 to vector<16xi32>
    %shift_left3A_24 = arith.shli %shift_right_logical3A_21, %shift_left3A_23 : vector<16xi32>
    %and3A_25 = arith.constant 8191 : i32
    %and3A_26 = vector.broadcast %and3A_25 : i32 to vector<16xi32>
    %and3A_27 = arith.andi %get3A_18, %and3A_26 : vector<16xi32>
    %or3A_28 = arith.ori %shift_left3A_24, %and3A_27 : vector<16xi32>
    %swap3A_29 = arith.constant 16 : index
    %swap3A_30 = tpu.vector_load %arg8[%swap3A_29] {strides = array<i32>} : memref<128xi32, #tpu.memory_space<vmem>>, vector<16xi32>,
    %swap3A_31 = vector.shape_cast %swap3A_30 : vector<16xi32> to vector<16xi32>
    %swap3A_32 = vector.shape_cast %or3A_28 : vector<16xi32> to vector<16xi32>
    tpu.vector_store %arg8[%swap3A_29], %swap3A_32 {strides = array<i32>} : memref<128xi32, #tpu.memory_space<vmem>>, vector<16xi32>,
    %get3A_33 = arith.constant 32 : index
    %get3A_34 = tpu.vector_load %arg7[%get3A_33] {strides = array<i32>} : memref<128xi32, #tpu.memory_space<vmem>>, vector<16xi32>,
    %get3A_35 = vector.shape_cast %get3A_34 : vector<16xi32> to vector<16xi32>
    %shift_right_logical3A_36 = arith.constant 15 : i32
    %shift_right_logical3A_37 = vector.broadcast %shift_right_logical3A_36 : i32 to vector<16xi32>
    %shift_right_logical3A_38 = arith.shrui %get3A_35, %shift_right_logical3A_37 : vector<16xi32>
    %shift_left3A_39 = arith.constant 13 : i32
    %shift_left3A_40 = vector.broadcast %shift_left3A_39 : i32 to vector<16xi32>
    %shift_left3A_41 = arith.shli %shift_right_logical3A_38, %shift_left3A_40 : vector<16xi32>
    %and3A_42 = arith.constant 8191 : i32
    %and3A_43 = vector.broadcast %and3A_42 : i32 to vector<16xi32>
    %and3A_44 = arith.andi %get3A_35, %and3A_43 : vector<16xi32>
    %or3A_45 = arith.ori %shift_left3A_41, %and3A_44 : vector<16xi32>
    %swap3A_46 = arith.constant 32 : index
    %swap3A_47 = tpu.vector_load %arg8[%swap3A_46] {strides = array<i32>} : memref<128xi32, #tpu.memory_space<vmem>>, vector<16xi32>,
    %swap3A_48 = vector.shape_cast %swap3A_47 : vector<16xi32> to vector<16xi32>
    %swap3A_49 = vector.shape_cast %or3A_45 : vector<16xi32> to vector<16xi32>
    tpu.vector_store %arg8[%swap3A_46], %swap3A_49 {strides = array<i32>} : memref<128xi32, #tpu.memory_space<vmem>>, vector<16xi32>,
    %get3A_50 = arith.constant 48 : index
    %get3A_51 = tpu.vector_load %arg7[%get3A_50] {strides = array<i32>} : memref<128xi32, #tpu.memory_space<vmem>>, vector<16xi32>,
    %get3A_52 = vector.shape_cast %get3A_51 : vector<16xi32> to vector<16xi32>
    %shift_right_logical3A_53 = arith.constant 15 : i32
    %shift_right_logical3A_54 = vector.broadcast %shift_right_logical3A_53 : i32 to vector<16xi32>
    %shift_right_logical3A_55 = arith.shrui %get3A_52, %shift_right_logical3A_54 : vector<16xi32>
    %shift_left3A_56 = arith.constant 13 : i32
    %shift_left3A_57 = vector.broadcast %shift_left3A_56 : i32 to vector<16xi32>
    %shift_left3A_58 = arith.shli %shift_right_logical3A_55, %shift_left3A_57 : vector<16xi32>
    %and3A_59 = arith.constant 8191 : i32
    %and3A_60 = vector.broadcast %and3A_59 : i32 to vector<16xi32>
    %and3A_61 = arith.andi %get3A_52, %and3A_60 : vector<16xi32>
    %or3A_62 = arith.ori %shift_left3A_58, %and3A_61 : vector<16xi32>
    %swap3A_63 = arith.constant 48 : index
    %swap3A_64 = tpu.vector_load %arg8[%swap3A_63] {strides = array<i32>} : memref<128xi32, #tpu.memory_space<vmem>>, vector<16xi32>,
    %swap3A_65 = vector.shape_cast %swap3A_64 : vector<16xi32> to vector<16xi32>
    %swap3A_66 = vector.shape_cast %or3A_62 : vector<16xi32> to vector<16xi32>
    tpu.vector_store %arg8[%swap3A_63], %swap3A_66 {strides = array<i32>} : memref<128xi32, #tpu.memory_space<vmem>>, vector<16xi32>,
    %get3A_67 = arith.constant 64 : index
    %get3A_68 = tpu.vector_load %arg7[%get3A_67] {strides = array<i32>} : memref<128xi32, #tpu.memory_space<vmem>>, vector<16xi32>,
    %get3A_69 = vector.shape_cast %get3A_68 : vector<16xi32> to vector<16xi32>
    %shift_right_logical3A_70 = arith.constant 15 : i32
    %shift_right_logical3A_71 = vector.broadcast %shift_right_logical3A_70 : i32 to vector<16xi32>
    %shift_right_logical3A_72 = arith.shrui %get3A_69, %shift_right_logical3A_71 : vector<16xi32>
    %shift_left3A_73 = arith.constant 13 : i32
    %shift_left3A_74 = vector.broadcast %shift_left3A_73 : i32 to vector<16xi32>
    %shift_left3A_75 = arith.shli %shift_right_logical3A_72, %shift_left3A_74 : vector<16xi32>
    %and3A_76 = arith.constant 8191 : i32
    %and3A_77 = vector.broadcast %and3A_76 : i32 to vector<16xi32>
    %and3A_78 = arith.andi %get3A_69, %and3A_77 : vector<16xi32>
    %or3A_79 = arith.ori %shift_left3A_75, %and3A_78 : vector<16xi32>
    %swap3A_80 = arith.constant 64 : index
    %swap3A_81 = tpu.vector_load %arg8[%swap3A_80] {strides = array<i32>} : memref<128xi32, #tpu.memory_space<vmem>>, vector<16xi32>,
    %swap3A_82 = vector.shape_cast %swap3A_81 : vector<16xi32> to vector<16xi32>
    %swap3A_83 = vector.shape_cast %or3A_79 : vector<16xi32> to vector<16xi32>
    tpu.vector_store %arg8[%swap3A_80], %swap3A_83 {strides = array<i32>} : memref<128xi32, #tpu.memory_space<vmem>>, vector<16xi32>,
    %get3A_84 = arith.constant 80 : index
    %get3A_85 = tpu.vector_load %arg7[%get3A_84] {strides = array<i32>} : memref<128xi32, #tpu.memory_space<vmem>>, vector<16xi32>,
    %get3A_86 = vector.shape_cast %get3A_85 : vector<16xi32> to vector<16xi32>
    %shift_right_logical3A_87 = arith.constant 15 : i32
    %shift_right_logical3A_88 = vector.broadcast %shift_right_logical3A_87 : i32 to vector<16xi32>
    %shift_right_logical3A_89 = arith.shrui %get3A_86, %shift_right_logical3A_88 : vector<16xi32>
    %shift_left3A_90 = arith.constant 13 : i32
    %shift_left3A_91 = vector.broadcast %shift_left3A_90 : i32 to vector<16xi32>
    %shift_left3A_92 = arith.shli %shift_right_logical3A_89, %shift_left3A_91 : vector<16xi32>
    %and3A_93 = arith.constant 8191 : i32
    %and3A_94 = vector.broadcast %and3A_93 : i32 to vector<16xi32>
    %and3A_95 = arith.andi %get3A_86, %and3A_94 : vector<16xi32>
    %or3A_96 = arith.ori %shift_left3A_92, %and3A_95 : vector<16xi32>
    %swap3A_97 = arith.constant 80 : index
    %swap3A_98 = tpu.vector_load %arg8[%swap3A_97] {strides = array<i32>} : memref<128xi32, #tpu.memory_space<vmem>>, vector<16xi32>,
    %swap3A_99 = vector.shape_cast %swap3A_98 : vector<16xi32> to vector<16xi32>
    %swap3A_100 = vector.shape_cast %or3A_96 : vector<16xi32> to vector<16xi32>
    tpu.vector_store %arg8[%swap3A_97], %swap3A_100 {strides = array<i32>} : memref<128xi32, #tpu.memory_space<vmem>>, vector<16xi32>,
    %get3A_101 = arith.constant 96 : index
    %get3A_102 = tpu.vector_load %arg7[%get3A_101] {strides = array<i32>} : memref<128xi32, #tpu.memory_space<vmem>>, vector<16xi32>,
    %get3A_103 = vector.shape_cast %get3A_102 : vector<16xi32> to vector<16xi32>
    %shift_right_logical3A_104 = arith.constant 15 : i32
    %shift_right_logical3A_105 = vector.broadcast %shift_right_logical3A_104 : i32 to vector<16xi32>
    %shift_right_logical3A_106 = arith.shrui %get3A_103, %shift_right_logical3A_105 : vector<16xi32>
    %shift_left3A_107 = arith.constant 13 : i32
    %shift_left3A_108 = vector.broadcast %shift_left3A_107 : i32 to vector<16xi32>
    %shift_left3A_109 = arith.shli %shift_right_logical3A_106, %shift_left3A_108 : vector<16xi32>
    %and3A_110 = arith.constant 8191 : i32
    %and3A_111 = vector.broadcast %and3A_110 : i32 to vector<16xi32>
    %and3A_112 = arith.andi %get3A_103, %and3A_111 : vector<16xi32>
    %or3A_113 = arith.ori %shift_left3A_109, %and3A_112 : vector<16xi32>
    %swap3A_114 = arith.constant 96 : index
    %swap3A_115 = tpu.vector_load %arg8[%swap3A_114] {strides = array<i32>} : memref<128xi32, #tpu.memory_space<vmem>>, vector<16xi32>,
    %swap3A_116 = vector.shape_cast %swap3A_115 : vector<16xi32> to vector<16xi32>
    %swap3A_117 = vector.shape_cast %or3A_113 : vector<16xi32> to vector<16xi32>
    tpu.vector_store %arg8[%swap3A_114], %swap3A_117 {strides = array<i32>} : memref<128xi32, #tpu.memory_space<vmem>>, vector<16xi32>,
    %get3A_118 = arith.constant 112 : index
    %get3A_119 = tpu.vector_load %arg7[%get3A_118] {strides = array<i32>} : memref<128xi32, #tpu.memory_space<vmem>>, vector<16xi32>,
    %get3A_120 = vector.shape_cast %get3A_119 : vector<16xi32> to vector<16xi32>
    %shift_right_logical3A_121 = arith.constant 15 : i32
    %shift_right_logical3A_122 = vector.broadcast %shift_right_logical3A_121 : i32 to vector<16xi32>
    %shift_right_logical3A_123 = arith.shrui %get3A_120, %shift_right_logical3A_122 : vector<16xi32>
    %shift_left3A_124 = arith.constant 13 : i32
    %shift_left3A_125 = vector.broadcast %shift_left3A_124 : i32 to vector<16xi32>
    %shift_left3A_126 = arith.shli %shift_right_logical3A_123, %shift_left3A_125 : vector<16xi32>
    %and3A_127 = arith.constant 8191 : i32
    %and3A_128 = vector.broadcast %and3A_127 : i32 to vector<16xi32>
    %and3A_129 = arith.andi %get3A_120, %and3A_128 : vector<16xi32>
    %or3A_130 = arith.ori %shift_left3A_126, %and3A_129 : vector<16xi32>
    %swap3A_131 = arith.constant 112 : index
    %swap3A_132 = tpu.vector_load %arg8[%swap3A_131] {strides = array<i32>} : memref<128xi32, #tpu.memory_space<vmem>>, vector<16xi32>,
    %swap3A_133 = vector.shape_cast %swap3A_132 : vector<16xi32> to vector<16xi32>
    %swap3A_134 = vector.shape_cast %or3A_130 : vector<16xi32> to vector<16xi32>
    tpu.vector_store %arg8[%swap3A_131], %swap3A_134 {strides = array<i32>} : memref<128xi32, #tpu.memory_space<vmem>>, vector<16xi32>,
    %dma_start3A = arith.constant 0 : i32
    %dma_start3A_135 = arith.constant 0 : i32
    %dma_start3A_136 = tpu.memref_slice %arg2[%dma_start3A, %dma_start3A_135] : memref<262720x128xf32, #tpu.memory_space<hbm>> -> memref<262720x128xf32, #tpu.memory_space<hbm>>
    tpu.enqueue_indirect_dma source(%dma_start3A_136 : memref<262720x128xf32, #tpu.memory_space<hbm>>) target(%arg9 : memref<128x128xf32, #tpu.memory_space<vmem>>) offsets(%arg8 : memref<128xi32, #tpu.memory_space<vmem>>) semaphore(%arg10 : memref<!tpu.dma_semaphore, #tpu.memory_space<semaphore_mem>>)
    %dma_wait3A = arith.constant 0 : i32
    %dma_wait3A_137 = arith.constant 0 : i32
    %dma_wait3A_138 = tpu.memref_slice %arg2[%dma_wait3A, %dma_wait3A_137] : memref<262720x128xf32, #tpu.memory_space<hbm>> -> memref<262720x128xf32, #tpu.memory_space<hbm>>
    tpu.wait_indirect_dma semaphore(%arg10 : memref<!tpu.dma_semaphore, #tpu.memory_space<semaphore_mem>>) src(%dma_wait3A_138 : memref<262720x128xf32, #tpu.memory_space<hbm>>) dst(%arg9 : memref<128x128xf32, #tpu.memory_space<vmem>>)
    "tpu.region"() ({
      %run_scoped3A = tpu.sem_alloc : memref<!tpu.dma_semaphore, #tpu.memory_space<semaphore_mem>>
      %dma_start3A_431 = arith.constant 0 : i32
      %dma_start3A_432 = tpu.memref_slice %arg5[%add3A_4, %dma_start3A_431] : memref<4096x128xf32, #tpu.memory_space<hbm>> -> memref<128x128xf32, #tpu.memory_space<hbm>>
      %dma_start3A_433 = arith.constant 0 : i32
      %dma_start3A_434 = tpu.memref_slice %arg5[%add3A_4, %dma_start3A_433] : memref<4096x128xf32, #tpu.memory_space<hbm>> -> memref<128x128xf32, #tpu.memory_space<hbm>>
      tpu.enqueue_dma source(%arg9 : memref<128x128xf32, #tpu.memory_space<vmem>>) target(%dma_start3A_434 : memref<128x128xf32, #tpu.memory_space<hbm>>) target_semaphore(%run_scoped3A : memref<!tpu.dma_semaphore, #tpu.memory_space<semaphore_mem>>)
      %dma_wait3A_435 = arith.constant 0 : i32
      %dma_wait3A_436 = tpu.memref_slice %arg5[%add3A_4, %dma_wait3A_435] : memref<4096x128xf32, #tpu.memory_space<hbm>> -> memref<128x128xf32, #tpu.memory_space<hbm>>
      %dma_wait3A_437 = arith.constant 0 : i32
      %dma_wait3A_438 = tpu.memref_slice %arg5[%add3A_4, %dma_wait3A_437] : memref<4096x128xf32, #tpu.memory_space<hbm>> -> memref<128x128xf32, #tpu.memory_space<hbm>>
      tpu.wait_dma2 semaphore(%run_scoped3A : memref<!tpu.dma_semaphore, #tpu.memory_space<semaphore_mem>>) src(%arg9 : memref<128x128xf32, #tpu.memory_space<vmem>>) dst(%dma_wait3A_438 : memref<128x128xf32, #tpu.memory_space<hbm>>)
      tpu.yield
    }) : () -> ()
    %mul3A_139 = arith.constant 256 : i32
    %mul3A_140 = arith.muli %add3A, %mul3A_139 : i32
    %add3A_141 = arith.constant 0 : i32
    %add3A_142 = arith.addi %mul3A_140, %add3A_141 : i32
    "tpu.region"() ({
      %run_scoped3A = tpu.sem_alloc : memref<!tpu.dma_semaphore, #tpu.memory_space<semaphore_mem>>
      %dma_start3A_431 = tpu.memref_slice %arg4[%add3A_142] : memref<8192xi32, #tpu.memory_space<hbm>> -> memref<128xi32, #tpu.memory_space<hbm>>
      %dma_start3A_432 = tpu.memref_slice %arg4[%add3A_142] : memref<8192xi32, #tpu.memory_space<hbm>> -> memref<128xi32, #tpu.memory_space<hbm>>
      tpu.enqueue_dma source(%dma_start3A_432 : memref<128xi32, #tpu.memory_space<hbm>>) target(%arg7 : memref<128xi32, #tpu.memory_space<vmem>>) target_semaphore(%run_scoped3A : memref<!tpu.dma_semaphore, #tpu.memory_space<semaphore_mem>>)
      %dma_wait3A_433 = tpu.memref_slice %arg4[%add3A_142] : memref<8192xi32, #tpu.memory_space<hbm>> -> memref<128xi32, #tpu.memory_space<hbm>>
      %dma_wait3A_434 = tpu.memref_slice %arg4[%add3A_142] : memref<8192xi32, #tpu.memory_space<hbm>> -> memref<128xi32, #tpu.memory_space<hbm>>
      tpu.wait_dma2 semaphore(%run_scoped3A : memref<!tpu.dma_semaphore, #tpu.memory_space<semaphore_mem>>) src(%dma_wait3A_434 : memref<128xi32, #tpu.memory_space<hbm>>) dst(%arg7 : memref<128xi32, #tpu.memory_space<vmem>>)
      tpu.yield
    }) : () -> ()
    %get3A_143 = arith.constant 0 : index
    %get3A_144 = tpu.vector_load %arg7[%get3A_143] {strides = array<i32>} : memref<128xi32, #tpu.memory_space<vmem>>, vector<16xi32>,
    %get3A_145 = vector.shape_cast %get3A_144 : vector<16xi32> to vector<16xi32>
    %shift_right_logical3A_146 = arith.constant 15 : i32
    %shift_right_logical3A_147 = vector.broadcast %shift_right_logical3A_146 : i32 to vector<16xi32>
    %shift_right_logical3A_148 = arith.shrui %get3A_145, %shift_right_logical3A_147 : vector<16xi32>
    %shift_left3A_149 = arith.constant 13 : i32
    %shift_left3A_150 = vector.broadcast %shift_left3A_149 : i32 to vector<16xi32>
    %shift_left3A_151 = arith.shli %shift_right_logical3A_148, %shift_left3A_150 : vector<16xi32>
    %and3A_152 = arith.constant 8191 : i32
    %and3A_153 = vector.broadcast %and3A_152 : i32 to vector<16xi32>
    %and3A_154 = arith.andi %get3A_145, %and3A_153 : vector<16xi32>
    %or3A_155 = arith.ori %shift_left3A_151, %and3A_154 : vector<16xi32>
    %swap3A_156 = arith.constant 0 : index
    %swap3A_157 = tpu.vector_load %arg8[%swap3A_156] {strides = array<i32>} : memref<128xi32, #tpu.memory_space<vmem>>, vector<16xi32>,
    %swap3A_158 = vector.shape_cast %swap3A_157 : vector<16xi32> to vector<16xi32>
    %swap3A_159 = vector.shape_cast %or3A_155 : vector<16xi32> to vector<16xi32>
    tpu.vector_store %arg8[%swap3A_156], %swap3A_159 {strides = array<i32>} : memref<128xi32, #tpu.memory_space<vmem>>, vector<16xi32>,
    %get3A_160 = arith.constant 16 : index
    %get3A_161 = tpu.vector_load %arg7[%get3A_160] {strides = array<i32>} : memref<128xi32, #tpu.memory_space<vmem>>, vector<16xi32>,
    %get3A_162 = vector.shape_cast %get3A_161 : vector<16xi32> to vector<16xi32>
    %shift_right_logical3A_163 = arith.constant 15 : i32
    %shift_right_logical3A_164 = vector.broadcast %shift_right_logical3A_163 : i32 to vector<16xi32>
    %shift_right_logical3A_165 = arith.shrui %get3A_162, %shift_right_logical3A_164 : vector<16xi32>
    %shift_left3A_166 = arith.constant 13 : i32
    %shift_left3A_167 = vector.broadcast %shift_left3A_166 : i32 to vector<16xi32>
    %shift_left3A_168 = arith.shli %shift_right_logical3A_165, %shift_left3A_167 : vector<16xi32>
    %and3A_169 = arith.constant 8191 : i32
    %and3A_170 = vector.broadcast %and3A_169 : i32 to vector<16xi32>
    %and3A_171 = arith.andi %get3A_162, %and3A_170 : vector<16xi32>
    %or3A_172 = arith.ori %shift_left3A_168, %and3A_171 : vector<16xi32>
    %swap3A_173 = arith.constant 16 : index
    %swap3A_174 = tpu.vector_load %arg8[%swap3A_173] {strides = array<i32>} : memref<128xi32, #tpu.memory_space<vmem>>, vector<16xi32>,
    %swap3A_175 = vector.shape_cast %swap3A_174 : vector<16xi32> to vector<16xi32>
    %swap3A_176 = vector.shape_cast %or3A_172 : vector<16xi32> to vector<16xi32>
    tpu.vector_store %arg8[%swap3A_173], %swap3A_176 {strides = array<i32>} : memref<128xi32, #tpu.memory_space<vmem>>, vector<16xi32>,
    %get3A_177 = arith.constant 32 : index
    %get3A_178 = tpu.vector_load %arg7[%get3A_177] {strides = array<i32>} : memref<128xi32, #tpu.memory_space<vmem>>, vector<16xi32>,
    %get3A_179 = vector.shape_cast %get3A_178 : vector<16xi32> to vector<16xi32>
    %shift_right_logical3A_180 = arith.constant 15 : i32
    %shift_right_logical3A_181 = vector.broadcast %shift_right_logical3A_180 : i32 to vector<16xi32>
    %shift_right_logical3A_182 = arith.shrui %get3A_179, %shift_right_logical3A_181 : vector<16xi32>
    %shift_left3A_183 = arith.constant 13 : i32
    %shift_left3A_184 = vector.broadcast %shift_left3A_183 : i32 to vector<16xi32>
    %shift_left3A_185 = arith.shli %shift_right_logical3A_182, %shift_left3A_184 : vector<16xi32>
    %and3A_186 = arith.constant 8191 : i32
    %and3A_187 = vector.broadcast %and3A_186 : i32 to vector<16xi32>
    %and3A_188 = arith.andi %get3A_179, %and3A_187 : vector<16xi32>
    %or3A_189 = arith.ori %shift_left3A_185, %and3A_188 : vector<16xi32>
    %swap3A_190 = arith.constant 32 : index
    %swap3A_191 = tpu.vector_load %arg8[%swap3A_190] {strides = array<i32>} : memref<128xi32, #tpu.memory_space<vmem>>, vector<16xi32>,
    %swap3A_192 = vector.shape_cast %swap3A_191 : vector<16xi32> to vector<16xi32>
    %swap3A_193 = vector.shape_cast %or3A_189 : vector<16xi32> to vector<16xi32>
    tpu.vector_store %arg8[%swap3A_190], %swap3A_193 {strides = array<i32>} : memref<128xi32, #tpu.memory_space<vmem>>, vector<16xi32>,
    %get3A_194 = arith.constant 48 : index
    %get3A_195 = tpu.vector_load %arg7[%get3A_194] {strides = array<i32>} : memref<128xi32, #tpu.memory_space<vmem>>, vector<16xi32>,
    %get3A_196 = vector.shape_cast %get3A_195 : vector<16xi32> to vector<16xi32>
    %shift_right_logical3A_197 = arith.constant 15 : i32
    %shift_right_logical3A_198 = vector.broadcast %shift_right_logical3A_197 : i32 to vector<16xi32>
    %shift_right_logical3A_199 = arith.shrui %get3A_196, %shift_right_logical3A_198 : vector<16xi32>
    %shift_left3A_200 = arith.constant 13 : i32
    %shift_left3A_201 = vector.broadcast %shift_left3A_200 : i32 to vector<16xi32>
    %shift_left3A_202 = arith.shli %shift_right_logical3A_199, %shift_left3A_201 : vector<16xi32>
    %and3A_203 = arith.constant 8191 : i32
    %and3A_204 = vector.broadcast %and3A_203 : i32 to vector<16xi32>
    %and3A_205 = arith.andi %get3A_196, %and3A_204 : vector<16xi32>
    %or3A_206 = arith.ori %shift_left3A_202, %and3A_205 : vector<16xi32>
    %swap3A_207 = arith.constant 48 : index
    %swap3A_208 = tpu.vector_load %arg8[%swap3A_207] {strides = array<i32>} : memref<128xi32, #tpu.memory_space<vmem>>, vector<16xi32>,
    %swap3A_209 = vector.shape_cast %swap3A_208 : vector<16xi32> to vector<16xi32>
    %swap3A_210 = vector.shape_cast %or3A_206 : vector<16xi32> to vector<16xi32>
    tpu.vector_store %arg8[%swap3A_207], %swap3A_210 {strides = array<i32>} : memref<128xi32, #tpu.memory_space<vmem>>, vector<16xi32>,
    %get3A_211 = arith.constant 64 : index
    %get3A_212 = tpu.vector_load %arg7[%get3A_211] {strides = array<i32>} : memref<128xi32, #tpu.memory_space<vmem>>, vector<16xi32>,
    %get3A_213 = vector.shape_cast %get3A_212 : vector<16xi32> to vector<16xi32>
    %shift_right_logical3A_214 = arith.constant 15 : i32
    %shift_right_logical3A_215 = vector.broadcast %shift_right_logical3A_214 : i32 to vector<16xi32>
    %shift_right_logical3A_216 = arith.shrui %get3A_213, %shift_right_logical3A_215 : vector<16xi32>
    %shift_left3A_217 = arith.constant 13 : i32
    %shift_left3A_218 = vector.broadcast %shift_left3A_217 : i32 to vector<16xi32>
    %shift_left3A_219 = arith.shli %shift_right_logical3A_216, %shift_left3A_218 : vector<16xi32>
    %and3A_220 = arith.constant 8191 : i32
    %and3A_221 = vector.broadcast %and3A_220 : i32 to vector<16xi32>
    %and3A_222 = arith.andi %get3A_213, %and3A_221 : vector<16xi32>
    %or3A_223 = arith.ori %shift_left3A_219, %and3A_222 : vector<16xi32>
    %swap3A_224 = arith.constant 64 : index
    %swap3A_225 = tpu.vector_load %arg8[%swap3A_224] {strides = array<i32>} : memref<128xi32, #tpu.memory_space<vmem>>, vector<16xi32>,
    %swap3A_226 = vector.shape_cast %swap3A_225 : vector<16xi32> to vector<16xi32>
    %swap3A_227 = vector.shape_cast %or3A_223 : vector<16xi32> to vector<16xi32>
    tpu.vector_store %arg8[%swap3A_224], %swap3A_227 {strides = array<i32>} : memref<128xi32, #tpu.memory_space<vmem>>, vector<16xi32>,
    %get3A_228 = arith.constant 80 : index
    %get3A_229 = tpu.vector_load %arg7[%get3A_228] {strides = array<i32>} : memref<128xi32, #tpu.memory_space<vmem>>, vector<16xi32>,
    %get3A_230 = vector.shape_cast %get3A_229 : vector<16xi32> to vector<16xi32>
    %shift_right_logical3A_231 = arith.constant 15 : i32
    %shift_right_logical3A_232 = vector.broadcast %shift_right_logical3A_231 : i32 to vector<16xi32>
    %shift_right_logical3A_233 = arith.shrui %get3A_230, %shift_right_logical3A_232 : vector<16xi32>
    %shift_left3A_234 = arith.constant 13 : i32
    %shift_left3A_235 = vector.broadcast %shift_left3A_234 : i32 to vector<16xi32>
    %shift_left3A_236 = arith.shli %shift_right_logical3A_233, %shift_left3A_235 : vector<16xi32>
    %and3A_237 = arith.constant 8191 : i32
    %and3A_238 = vector.broadcast %and3A_237 : i32 to vector<16xi32>
    %and3A_239 = arith.andi %get3A_230, %and3A_238 : vector<16xi32>
    %or3A_240 = arith.ori %shift_left3A_236, %and3A_239 : vector<16xi32>
    %swap3A_241 = arith.constant 80 : index
    %swap3A_242 = tpu.vector_load %arg8[%swap3A_241] {strides = array<i32>} : memref<128xi32, #tpu.memory_space<vmem>>, vector<16xi32>,
    %swap3A_243 = vector.shape_cast %swap3A_242 : vector<16xi32> to vector<16xi32>
    %swap3A_244 = vector.shape_cast %or3A_240 : vector<16xi32> to vector<16xi32>
    tpu.vector_store %arg8[%swap3A_241], %swap3A_244 {strides = array<i32>} : memref<128xi32, #tpu.memory_space<vmem>>, vector<16xi32>,
    %get3A_245 = arith.constant 96 : index
    %get3A_246 = tpu.vector_load %arg7[%get3A_245] {strides = array<i32>} : memref<128xi32, #tpu.memory_space<vmem>>, vector<16xi32>,
    %get3A_247 = vector.shape_cast %get3A_246 : vector<16xi32> to vector<16xi32>
    %shift_right_logical3A_248 = arith.constant 15 : i32
    %shift_right_logical3A_249 = vector.broadcast %shift_right_logical3A_248 : i32 to vector<16xi32>
    %shift_right_logical3A_250 = arith.shrui %get3A_247, %shift_right_logical3A_249 : vector<16xi32>
    %shift_left3A_251 = arith.constant 13 : i32
    %shift_left3A_252 = vector.broadcast %shift_left3A_251 : i32 to vector<16xi32>
    %shift_left3A_253 = arith.shli %shift_right_logical3A_250, %shift_left3A_252 : vector<16xi32>
    %and3A_254 = arith.constant 8191 : i32
    %and3A_255 = vector.broadcast %and3A_254 : i32 to vector<16xi32>
    %and3A_256 = arith.andi %get3A_247, %and3A_255 : vector<16xi32>
    %or3A_257 = arith.ori %shift_left3A_253, %and3A_256 : vector<16xi32>
    %swap3A_258 = arith.constant 96 : index
    %swap3A_259 = tpu.vector_load %arg8[%swap3A_258] {strides = array<i32>} : memref<128xi32, #tpu.memory_space<vmem>>, vector<16xi32>,
    %swap3A_260 = vector.shape_cast %swap3A_259 : vector<16xi32> to vector<16xi32>
    %swap3A_261 = vector.shape_cast %or3A_257 : vector<16xi32> to vector<16xi32>
    tpu.vector_store %arg8[%swap3A_258], %swap3A_261 {strides = array<i32>} : memref<128xi32, #tpu.memory_space<vmem>>, vector<16xi32>,
    %get3A_262 = arith.constant 112 : index
    %get3A_263 = tpu.vector_load %arg7[%get3A_262] {strides = array<i32>} : memref<128xi32, #tpu.memory_space<vmem>>, vector<16xi32>,
    %get3A_264 = vector.shape_cast %get3A_263 : vector<16xi32> to vector<16xi32>
    %shift_right_logical3A_265 = arith.constant 15 : i32
    %shift_right_logical3A_266 = vector.broadcast %shift_right_logical3A_265 : i32 to vector<16xi32>
    %shift_right_logical3A_267 = arith.shrui %get3A_264, %shift_right_logical3A_266 : vector<16xi32>
    %shift_left3A_268 = arith.constant 13 : i32
    %shift_left3A_269 = vector.broadcast %shift_left3A_268 : i32 to vector<16xi32>
    %shift_left3A_270 = arith.shli %shift_right_logical3A_267, %shift_left3A_269 : vector<16xi32>
    %and3A_271 = arith.constant 8191 : i32
    %and3A_272 = vector.broadcast %and3A_271 : i32 to vector<16xi32>
    %and3A_273 = arith.andi %get3A_264, %and3A_272 : vector<16xi32>
    %or3A_274 = arith.ori %shift_left3A_270, %and3A_273 : vector<16xi32>
    %swap3A_275 = arith.constant 112 : index
    %swap3A_276 = tpu.vector_load %arg8[%swap3A_275] {strides = array<i32>} : memref<128xi32, #tpu.memory_space<vmem>>, vector<16xi32>,
    %swap3A_277 = vector.shape_cast %swap3A_276 : vector<16xi32> to vector<16xi32>
    %swap3A_278 = vector.shape_cast %or3A_274 : vector<16xi32> to vector<16xi32>
    tpu.vector_store %arg8[%swap3A_275], %swap3A_278 {strides = array<i32>} : memref<128xi32, #tpu.memory_space<vmem>>, vector<16xi32>,
    %dma_start3A_279 = arith.constant 0 : i32
    %dma_start3A_280 = arith.constant 0 : i32
    %dma_start3A_281 = tpu.memref_slice %arg2[%dma_start3A_279, %dma_start3A_280] : memref<262720x128xf32, #tpu.memory_space<hbm>> -> memref<262720x128xf32, #tpu.memory_space<hbm>>
    tpu.enqueue_indirect_dma source(%dma_start3A_281 : memref<262720x128xf32, #tpu.memory_space<hbm>>) target(%arg9 : memref<128x128xf32, #tpu.memory_space<vmem>>) offsets(%arg8 : memref<128xi32, #tpu.memory_space<vmem>>) semaphore(%arg10 : memref<!tpu.dma_semaphore, #tpu.memory_space<semaphore_mem>>)
    %dma_wait3A_282 = arith.constant 0 : i32
    %dma_wait3A_283 = arith.constant 0 : i32
    %dma_wait3A_284 = tpu.memref_slice %arg2[%dma_wait3A_282, %dma_wait3A_283] : memref<262720x128xf32, #tpu.memory_space<hbm>> -> memref<262720x128xf32, #tpu.memory_space<hbm>>
    tpu.wait_indirect_dma semaphore(%arg10 : memref<!tpu.dma_semaphore, #tpu.memory_space<semaphore_mem>>) src(%dma_wait3A_284 : memref<262720x128xf32, #tpu.memory_space<hbm>>) dst(%arg9 : memref<128x128xf32, #tpu.memory_space<vmem>>)
    "tpu.region"() ({
      %run_scoped3A = tpu.sem_alloc : memref<!tpu.dma_semaphore, #tpu.memory_space<semaphore_mem>>
      %dma_start3A_431 = arith.constant 0 : i32
      %dma_start3A_432 = tpu.memref_slice %arg6[%add3A_142, %dma_start3A_431] : memref<8192x128xf32, #tpu.memory_space<hbm>> -> memref<128x128xf32, #tpu.memory_space<hbm>>
      %dma_start3A_433 = arith.constant 0 : i32
      %dma_start3A_434 = tpu.memref_slice %arg6[%add3A_142, %dma_start3A_433] : memref<8192x128xf32, #tpu.memory_space<hbm>> -> memref<128x128xf32, #tpu.memory_space<hbm>>
      tpu.enqueue_dma source(%arg9 : memref<128x128xf32, #tpu.memory_space<vmem>>) target(%dma_start3A_434 : memref<128x128xf32, #tpu.memory_space<hbm>>) target_semaphore(%run_scoped3A : memref<!tpu.dma_semaphore, #tpu.memory_space<semaphore_mem>>)
      %dma_wait3A_435 = arith.constant 0 : i32
      %dma_wait3A_436 = tpu.memref_slice %arg6[%add3A_142, %dma_wait3A_435] : memref<8192x128xf32, #tpu.memory_space<hbm>> -> memref<128x128xf32, #tpu.memory_space<hbm>>
      %dma_wait3A_437 = arith.constant 0 : i32
      %dma_wait3A_438 = tpu.memref_slice %arg6[%add3A_142, %dma_wait3A_437] : memref<8192x128xf32, #tpu.memory_space<hbm>> -> memref<128x128xf32, #tpu.memory_space<hbm>>
      tpu.wait_dma2 semaphore(%run_scoped3A : memref<!tpu.dma_semaphore, #tpu.memory_space<semaphore_mem>>) src(%arg9 : memref<128x128xf32, #tpu.memory_space<vmem>>) dst(%dma_wait3A_438 : memref<128x128xf32, #tpu.memory_space<hbm>>)
      tpu.yield
    }) : () -> ()
    %mul3A_285 = arith.constant 256 : i32
    %mul3A_286 = arith.muli %add3A, %mul3A_285 : i32
    %add3A_287 = arith.constant 128 : i32
    %add3A_288 = arith.addi %mul3A_286, %add3A_287 : i32
    "tpu.region"() ({
      %run_scoped3A = tpu.sem_alloc : memref<!tpu.dma_semaphore, #tpu.memory_space<semaphore_mem>>
      %dma_start3A_431 = tpu.memref_slice %arg4[%add3A_288] : memref<8192xi32, #tpu.memory_space<hbm>> -> memref<128xi32, #tpu.memory_space<hbm>>
      %dma_start3A_432 = tpu.memref_slice %arg4[%add3A_288] : memref<8192xi32, #tpu.memory_space<hbm>> -> memref<128xi32, #tpu.memory_space<hbm>>
      tpu.enqueue_dma source(%dma_start3A_432 : memref<128xi32, #tpu.memory_space<hbm>>) target(%arg7 : memref<128xi32, #tpu.memory_space<vmem>>) target_semaphore(%run_scoped3A : memref<!tpu.dma_semaphore, #tpu.memory_space<semaphore_mem>>)
      %dma_wait3A_433 = tpu.memref_slice %arg4[%add3A_288] : memref<8192xi32, #tpu.memory_space<hbm>> -> memref<128xi32, #tpu.memory_space<hbm>>
      %dma_wait3A_434 = tpu.memref_slice %arg4[%add3A_288] : memref<8192xi32, #tpu.memory_space<hbm>> -> memref<128xi32, #tpu.memory_space<hbm>>
      tpu.wait_dma2 semaphore(%run_scoped3A : memref<!tpu.dma_semaphore, #tpu.memory_space<semaphore_mem>>) src(%dma_wait3A_434 : memref<128xi32, #tpu.memory_space<hbm>>) dst(%arg7 : memref<128xi32, #tpu.memory_space<vmem>>)
      tpu.yield
    }) : () -> ()
    %get3A_289 = arith.constant 0 : index
    %get3A_290 = tpu.vector_load %arg7[%get3A_289] {strides = array<i32>} : memref<128xi32, #tpu.memory_space<vmem>>, vector<16xi32>,
    %get3A_291 = vector.shape_cast %get3A_290 : vector<16xi32> to vector<16xi32>
    %shift_right_logical3A_292 = arith.constant 15 : i32
    %shift_right_logical3A_293 = vector.broadcast %shift_right_logical3A_292 : i32 to vector<16xi32>
    %shift_right_logical3A_294 = arith.shrui %get3A_291, %shift_right_logical3A_293 : vector<16xi32>
    %shift_left3A_295 = arith.constant 13 : i32
    %shift_left3A_296 = vector.broadcast %shift_left3A_295 : i32 to vector<16xi32>
    %shift_left3A_297 = arith.shli %shift_right_logical3A_294, %shift_left3A_296 : vector<16xi32>
    %and3A_298 = arith.constant 8191 : i32
    %and3A_299 = vector.broadcast %and3A_298 : i32 to vector<16xi32>
    %and3A_300 = arith.andi %get3A_291, %and3A_299 : vector<16xi32>
    %or3A_301 = arith.ori %shift_left3A_297, %and3A_300 : vector<16xi32>
    %swap3A_302 = arith.constant 0 : index
    %swap3A_303 = tpu.vector_load %arg8[%swap3A_302] {strides = array<i32>} : memref<128xi32, #tpu.memory_space<vmem>>, vector<16xi32>,
    %swap3A_304 = vector.shape_cast %swap3A_303 : vector<16xi32> to vector<16xi32>
    %swap3A_305 = vector.shape_cast %or3A_301 : vector<16xi32> to vector<16xi32>
    tpu.vector_store %arg8[%swap3A_302], %swap3A_305 {strides = array<i32>} : memref<128xi32, #tpu.memory_space<vmem>>, vector<16xi32>,
    %get3A_306 = arith.constant 16 : index
    %get3A_307 = tpu.vector_load %arg7[%get3A_306] {strides = array<i32>} : memref<128xi32, #tpu.memory_space<vmem>>, vector<16xi32>,
    %get3A_308 = vector.shape_cast %get3A_307 : vector<16xi32> to vector<16xi32>
    %shift_right_logical3A_309 = arith.constant 15 : i32
    %shift_right_logical3A_310 = vector.broadcast %shift_right_logical3A_309 : i32 to vector<16xi32>
    %shift_right_logical3A_311 = arith.shrui %get3A_308, %shift_right_logical3A_310 : vector<16xi32>
    %shift_left3A_312 = arith.constant 13 : i32
    %shift_left3A_313 = vector.broadcast %shift_left3A_312 : i32 to vector<16xi32>
    %shift_left3A_314 = arith.shli %shift_right_logical3A_311, %shift_left3A_313 : vector<16xi32>
    %and3A_315 = arith.constant 8191 : i32
    %and3A_316 = vector.broadcast %and3A_315 : i32 to vector<16xi32>
    %and3A_317 = arith.andi %get3A_308, %and3A_316 : vector<16xi32>
    %or3A_318 = arith.ori %shift_left3A_314, %and3A_317 : vector<16xi32>
    %swap3A_319 = arith.constant 16 : index
    %swap3A_320 = tpu.vector_load %arg8[%swap3A_319] {strides = array<i32>} : memref<128xi32, #tpu.memory_space<vmem>>, vector<16xi32>,
    %swap3A_321 = vector.shape_cast %swap3A_320 : vector<16xi32> to vector<16xi32>
    %swap3A_322 = vector.shape_cast %or3A_318 : vector<16xi32> to vector<16xi32>
    tpu.vector_store %arg8[%swap3A_319], %swap3A_322 {strides = array<i32>} : memref<128xi32, #tpu.memory_space<vmem>>, vector<16xi32>,
    %get3A_323 = arith.constant 32 : index
    %get3A_324 = tpu.vector_load %arg7[%get3A_323] {strides = array<i32>} : memref<128xi32, #tpu.memory_space<vmem>>, vector<16xi32>,
    %get3A_325 = vector.shape_cast %get3A_324 : vector<16xi32> to vector<16xi32>
    %shift_right_logical3A_326 = arith.constant 15 : i32
    %shift_right_logical3A_327 = vector.broadcast %shift_right_logical3A_326 : i32 to vector<16xi32>
    %shift_right_logical3A_328 = arith.shrui %get3A_325, %shift_right_logical3A_327 : vector<16xi32>
    %shift_left3A_329 = arith.constant 13 : i32
    %shift_left3A_330 = vector.broadcast %shift_left3A_329 : i32 to vector<16xi32>
    %shift_left3A_331 = arith.shli %shift_right_logical3A_328, %shift_left3A_330 : vector<16xi32>
    %and3A_332 = arith.constant 8191 : i32
    %and3A_333 = vector.broadcast %and3A_332 : i32 to vector<16xi32>
    %and3A_334 = arith.andi %get3A_325, %and3A_333 : vector<16xi32>
    %or3A_335 = arith.ori %shift_left3A_331, %and3A_334 : vector<16xi32>
    %swap3A_336 = arith.constant 32 : index
    %swap3A_337 = tpu.vector_load %arg8[%swap3A_336] {strides = array<i32>} : memref<128xi32, #tpu.memory_space<vmem>>, vector<16xi32>,
    %swap3A_338 = vector.shape_cast %swap3A_337 : vector<16xi32> to vector<16xi32>
    %swap3A_339 = vector.shape_cast %or3A_335 : vector<16xi32> to vector<16xi32>
    tpu.vector_store %arg8[%swap3A_336], %swap3A_339 {strides = array<i32>} : memref<128xi32, #tpu.memory_space<vmem>>, vector<16xi32>,
    %get3A_340 = arith.constant 48 : index
    %get3A_341 = tpu.vector_load %arg7[%get3A_340] {strides = array<i32>} : memref<128xi32, #tpu.memory_space<vmem>>, vector<16xi32>,
    %get3A_342 = vector.shape_cast %get3A_341 : vector<16xi32> to vector<16xi32>
    %shift_right_logical3A_343 = arith.constant 15 : i32
    %shift_right_logical3A_344 = vector.broadcast %shift_right_logical3A_343 : i32 to vector<16xi32>
    %shift_right_logical3A_345 = arith.shrui %get3A_342, %shift_right_logical3A_344 : vector<16xi32>
    %shift_left3A_346 = arith.constant 13 : i32
    %shift_left3A_347 = vector.broadcast %shift_left3A_346 : i32 to vector<16xi32>
    %shift_left3A_348 = arith.shli %shift_right_logical3A_345, %shift_left3A_347 : vector<16xi32>
    %and3A_349 = arith.constant 8191 : i32
    %and3A_350 = vector.broadcast %and3A_349 : i32 to vector<16xi32>
    %and3A_351 = arith.andi %get3A_342, %and3A_350 : vector<16xi32>
    %or3A_352 = arith.ori %shift_left3A_348, %and3A_351 : vector<16xi32>
    %swap3A_353 = arith.constant 48 : index
    %swap3A_354 = tpu.vector_load %arg8[%swap3A_353] {strides = array<i32>} : memref<128xi32, #tpu.memory_space<vmem>>, vector<16xi32>,
    %swap3A_355 = vector.shape_cast %swap3A_354 : vector<16xi32> to vector<16xi32>
    %swap3A_356 = vector.shape_cast %or3A_352 : vector<16xi32> to vector<16xi32>
    tpu.vector_store %arg8[%swap3A_353], %swap3A_356 {strides = array<i32>} : memref<128xi32, #tpu.memory_space<vmem>>, vector<16xi32>,
    %get3A_357 = arith.constant 64 : index
    %get3A_358 = tpu.vector_load %arg7[%get3A_357] {strides = array<i32>} : memref<128xi32, #tpu.memory_space<vmem>>, vector<16xi32>,
    %get3A_359 = vector.shape_cast %get3A_358 : vector<16xi32> to vector<16xi32>
    %shift_right_logical3A_360 = arith.constant 15 : i32
    %shift_right_logical3A_361 = vector.broadcast %shift_right_logical3A_360 : i32 to vector<16xi32>
    %shift_right_logical3A_362 = arith.shrui %get3A_359, %shift_right_logical3A_361 : vector<16xi32>
    %shift_left3A_363 = arith.constant 13 : i32
    %shift_left3A_364 = vector.broadcast %shift_left3A_363 : i32 to vector<16xi32>
    %shift_left3A_365 = arith.shli %shift_right_logical3A_362, %shift_left3A_364 : vector<16xi32>
    %and3A_366 = arith.constant 8191 : i32
    %and3A_367 = vector.broadcast %and3A_366 : i32 to vector<16xi32>
    %and3A_368 = arith.andi %get3A_359, %and3A_367 : vector<16xi32>
    %or3A_369 = arith.ori %shift_left3A_365, %and3A_368 : vector<16xi32>
    %swap3A_370 = arith.constant 64 : index
    %swap3A_371 = tpu.vector_load %arg8[%swap3A_370] {strides = array<i32>} : memref<128xi32, #tpu.memory_space<vmem>>, vector<16xi32>,
    %swap3A_372 = vector.shape_cast %swap3A_371 : vector<16xi32> to vector<16xi32>
    %swap3A_373 = vector.shape_cast %or3A_369 : vector<16xi32> to vector<16xi32>
    tpu.vector_store %arg8[%swap3A_370], %swap3A_373 {strides = array<i32>} : memref<128xi32, #tpu.memory_space<vmem>>, vector<16xi32>,
    %get3A_374 = arith.constant 80 : index
    %get3A_375 = tpu.vector_load %arg7[%get3A_374] {strides = array<i32>} : memref<128xi32, #tpu.memory_space<vmem>>, vector<16xi32>,
    %get3A_376 = vector.shape_cast %get3A_375 : vector<16xi32> to vector<16xi32>
    %shift_right_logical3A_377 = arith.constant 15 : i32
    %shift_right_logical3A_378 = vector.broadcast %shift_right_logical3A_377 : i32 to vector<16xi32>
    %shift_right_logical3A_379 = arith.shrui %get3A_376, %shift_right_logical3A_378 : vector<16xi32>
    %shift_left3A_380 = arith.constant 13 : i32
    %shift_left3A_381 = vector.broadcast %shift_left3A_380 : i32 to vector<16xi32>
    %shift_left3A_382 = arith.shli %shift_right_logical3A_379, %shift_left3A_381 : vector<16xi32>
    %and3A_383 = arith.constant 8191 : i32
    %and3A_384 = vector.broadcast %and3A_383 : i32 to vector<16xi32>
    %and3A_385 = arith.andi %get3A_376, %and3A_384 : vector<16xi32>
    %or3A_386 = arith.ori %shift_left3A_382, %and3A_385 : vector<16xi32>
    %swap3A_387 = arith.constant 80 : index
    %swap3A_388 = tpu.vector_load %arg8[%swap3A_387] {strides = array<i32>} : memref<128xi32, #tpu.memory_space<vmem>>, vector<16xi32>,
    %swap3A_389 = vector.shape_cast %swap3A_388 : vector<16xi32> to vector<16xi32>
    %swap3A_390 = vector.shape_cast %or3A_386 : vector<16xi32> to vector<16xi32>
    tpu.vector_store %arg8[%swap3A_387], %swap3A_390 {strides = array<i32>} : memref<128xi32, #tpu.memory_space<vmem>>, vector<16xi32>,
    %get3A_391 = arith.constant 96 : index
    %get3A_392 = tpu.vector_load %arg7[%get3A_391] {strides = array<i32>} : memref<128xi32, #tpu.memory_space<vmem>>, vector<16xi32>,
    %get3A_393 = vector.shape_cast %get3A_392 : vector<16xi32> to vector<16xi32>
    %shift_right_logical3A_394 = arith.constant 15 : i32
    %shift_right_logical3A_395 = vector.broadcast %shift_right_logical3A_394 : i32 to vector<16xi32>
    %shift_right_logical3A_396 = arith.shrui %get3A_393, %shift_right_logical3A_395 : vector<16xi32>
    %shift_left3A_397 = arith.constant 13 : i32
    %shift_left3A_398 = vector.broadcast %shift_left3A_397 : i32 to vector<16xi32>
    %shift_left3A_399 = arith.shli %shift_right_logical3A_396, %shift_left3A_398 : vector<16xi32>
    %and3A_400 = arith.constant 8191 : i32
    %and3A_401 = vector.broadcast %and3A_400 : i32 to vector<16xi32>
    %and3A_402 = arith.andi %get3A_393, %and3A_401 : vector<16xi32>
    %or3A_403 = arith.ori %shift_left3A_399, %and3A_402 : vector<16xi32>
    %swap3A_404 = arith.constant 96 : index
    %swap3A_405 = tpu.vector_load %arg8[%swap3A_404] {strides = array<i32>} : memref<128xi32, #tpu.memory_space<vmem>>, vector<16xi32>,
    %swap3A_406 = vector.shape_cast %swap3A_405 : vector<16xi32> to vector<16xi32>
    %swap3A_407 = vector.shape_cast %or3A_403 : vector<16xi32> to vector<16xi32>
    tpu.vector_store %arg8[%swap3A_404], %swap3A_407 {strides = array<i32>} : memref<128xi32, #tpu.memory_space<vmem>>, vector<16xi32>,
    %get3A_408 = arith.constant 112 : index
    %get3A_409 = tpu.vector_load %arg7[%get3A_408] {strides = array<i32>} : memref<128xi32, #tpu.memory_space<vmem>>, vector<16xi32>,
    %get3A_410 = vector.shape_cast %get3A_409 : vector<16xi32> to vector<16xi32>
    %shift_right_logical3A_411 = arith.constant 15 : i32
    %shift_right_logical3A_412 = vector.broadcast %shift_right_logical3A_411 : i32 to vector<16xi32>
    %shift_right_logical3A_413 = arith.shrui %get3A_410, %shift_right_logical3A_412 : vector<16xi32>
    %shift_left3A_414 = arith.constant 13 : i32
    %shift_left3A_415 = vector.broadcast %shift_left3A_414 : i32 to vector<16xi32>
    %shift_left3A_416 = arith.shli %shift_right_logical3A_413, %shift_left3A_415 : vector<16xi32>
    %and3A_417 = arith.constant 8191 : i32
    %and3A_418 = vector.broadcast %and3A_417 : i32 to vector<16xi32>
    %and3A_419 = arith.andi %get3A_410, %and3A_418 : vector<16xi32>
    %or3A_420 = arith.ori %shift_left3A_416, %and3A_419 : vector<16xi32>
    %swap3A_421 = arith.constant 112 : index
    %swap3A_422 = tpu.vector_load %arg8[%swap3A_421] {strides = array<i32>} : memref<128xi32, #tpu.memory_space<vmem>>, vector<16xi32>,
    %swap3A_423 = vector.shape_cast %swap3A_422 : vector<16xi32> to vector<16xi32>
    %swap3A_424 = vector.shape_cast %or3A_420 : vector<16xi32> to vector<16xi32>
    tpu.vector_store %arg8[%swap3A_421], %swap3A_424 {strides = array<i32>} : memref<128xi32, #tpu.memory_space<vmem>>, vector<16xi32>,
    %dma_start3A_425 = arith.constant 0 : i32
    %dma_start3A_426 = arith.constant 0 : i32
    %dma_start3A_427 = tpu.memref_slice %arg2[%dma_start3A_425, %dma_start3A_426] : memref<262720x128xf32, #tpu.memory_space<hbm>> -> memref<262720x128xf32, #tpu.memory_space<hbm>>
    tpu.enqueue_indirect_dma source(%dma_start3A_427 : memref<262720x128xf32, #tpu.memory_space<hbm>>) target(%arg9 : memref<128x128xf32, #tpu.memory_space<vmem>>) offsets(%arg8 : memref<128xi32, #tpu.memory_space<vmem>>) semaphore(%arg10 : memref<!tpu.dma_semaphore, #tpu.memory_space<semaphore_mem>>)
    %dma_wait3A_428 = arith.constant 0 : i32
    %dma_wait3A_429 = arith.constant 0 : i32
    %dma_wait3A_430 = tpu.memref_slice %arg2[%dma_wait3A_428, %dma_wait3A_429] : memref<262720x128xf32, #tpu.memory_space<hbm>> -> memref<262720x128xf32, #tpu.memory_space<hbm>>
    tpu.wait_indirect_dma semaphore(%arg10 : memref<!tpu.dma_semaphore, #tpu.memory_space<semaphore_mem>>) src(%dma_wait3A_430 : memref<262720x128xf32, #tpu.memory_space<hbm>>) dst(%arg9 : memref<128x128xf32, #tpu.memory_space<vmem>>)
    "tpu.region"() ({
      %run_scoped3A = tpu.sem_alloc : memref<!tpu.dma_semaphore, #tpu.memory_space<semaphore_mem>>
      %dma_start3A_431 = arith.constant 0 : i32
      %dma_start3A_432 = tpu.memref_slice %arg6[%add3A_288, %dma_start3A_431] : memref<8192x128xf32, #tpu.memory_space<hbm>> -> memref<128x128xf32, #tpu.memory_space<hbm>>
      %dma_start3A_433 = arith.constant 0 : i32
      %dma_start3A_434 = tpu.memref_slice %arg6[%add3A_288, %dma_start3A_433] : memref<8192x128xf32, #tpu.memory_space<hbm>> -> memref<128x128xf32, #tpu.memory_space<hbm>>
      tpu.enqueue_dma source(%arg9 : memref<128x128xf32, #tpu.memory_space<vmem>>) target(%dma_start3A_434 : memref<128x128xf32, #tpu.memory_space<hbm>>) target_semaphore(%run_scoped3A : memref<!tpu.dma_semaphore, #tpu.memory_space<semaphore_mem>>)
      %dma_wait3A_435 = arith.constant 0 : i32
      %dma_wait3A_436 = tpu.memref_slice %arg6[%add3A_288, %dma_wait3A_435] : memref<8192x128xf32, #tpu.memory_space<hbm>> -> memref<128x128xf32, #tpu.memory_space<hbm>>
      %dma_wait3A_437 = arith.constant 0 : i32
      %dma_wait3A_438 = tpu.memref_slice %arg6[%add3A_288, %dma_wait3A_437] : memref<8192x128xf32, #tpu.memory_space<hbm>> -> memref<128x128xf32, #tpu.memory_space<hbm>>
      tpu.wait_dma2 semaphore(%run_scoped3A : memref<!tpu.dma_semaphore, #tpu.memory_space<semaphore_mem>>) src(%arg9 : memref<128x128xf32, #tpu.memory_space<vmem>>) dst(%dma_wait3A_438 : memref<128x128xf32, #tpu.memory_space<hbm>>)
      tpu.yield
    }) : () -> ()
    return
  }
}

#map = affine_map<(d0, d1) -> (0)>
module attributes {stable_mosaic.version = 14 : i64} {
  func.func @offsets_kernel(%arg0: i32, %arg1: i32, %arg2: memref<1000000xf32, #tpu.memory_space<hbm>>, %arg3: memref<1000000xf32, #tpu.memory_space<hbm>>, %arg4: memref<4096xi32, #tpu.memory_space<hbm>>, %arg5: memref<8192xi32, #tpu.memory_space<hbm>>, %arg6: memref<4096xf32, #tpu.memory_space<hbm>>, %arg7: memref<8192xf32, #tpu.memory_space<hbm>>, %arg8: memref<4096xf32, #tpu.memory_space<hbm>>, %arg9: memref<8192xf32, #tpu.memory_space<hbm>>, %arg10: memref<128xi32, #tpu.memory_space<vmem>>, %arg11: memref<128xf32, #tpu.memory_space<vmem>>, %arg12: memref<128xf32, #tpu.memory_space<vmem>>, %arg13: memref<128xf32, #tpu.memory_space<vmem>>, %arg14: memref<128xf32, #tpu.memory_space<vmem>>, %arg15: memref<!tpu.dma_semaphore, #tpu.memory_space<semaphore_mem>>) attributes {dimension_semantics = [#tpu.dimension_semantics<core_parallel>, #tpu.dimension_semantics<subcore_parallel>], iteration_bounds = array<i64: 2, 16>, scalar_prefetch = 0 : i64, scratch_operands = 6 : i64, tpu.core_type = #tpu.core_type<sc_vector_subcore>, window_params = [{transform_indices = #map}, {transform_indices = #map}, {transform_indices = #map}, {transform_indices = #map}, {transform_indices = #map}, {transform_indices = #map}, {transform_indices = #map}, {transform_indices = #map}]} {
    %mul3A = arith.constant 2 : i32
    %mul3A_0 = arith.muli %arg1, %mul3A : i32
    %add3A = arith.addi %mul3A_0, %arg0 : i32
    %mul3A_1 = arith.constant 128 : i32
    %mul3A_2 = arith.muli %add3A, %mul3A_1 : i32
    %add3A_3 = arith.constant 0 : i32
    %add3A_4 = arith.addi %mul3A_2, %add3A_3 : i32
    "tpu.region"() ({
      %run_scoped3A = tpu.sem_alloc : memref<!tpu.dma_semaphore, #tpu.memory_space<semaphore_mem>>
      %dma_start3A_701 = tpu.memref_slice %arg4[%add3A_4] : memref<4096xi32, #tpu.memory_space<hbm>> -> memref<128xi32, #tpu.memory_space<hbm>>
      %dma_start3A_702 = tpu.memref_slice %arg4[%add3A_4] : memref<4096xi32, #tpu.memory_space<hbm>> -> memref<128xi32, #tpu.memory_space<hbm>>
      tpu.enqueue_dma source(%dma_start3A_702 : memref<128xi32, #tpu.memory_space<hbm>>) target(%arg10 : memref<128xi32, #tpu.memory_space<vmem>>) target_semaphore(%run_scoped3A : memref<!tpu.dma_semaphore, #tpu.memory_space<semaphore_mem>>)
      %dma_wait3A_703 = tpu.memref_slice %arg4[%add3A_4] : memref<4096xi32, #tpu.memory_space<hbm>> -> memref<128xi32, #tpu.memory_space<hbm>>
      %dma_wait3A_704 = tpu.memref_slice %arg4[%add3A_4] : memref<4096xi32, #tpu.memory_space<hbm>> -> memref<128xi32, #tpu.memory_space<hbm>>
      tpu.wait_dma2 semaphore(%run_scoped3A : memref<!tpu.dma_semaphore, #tpu.memory_space<semaphore_mem>>) src(%dma_wait3A_704 : memref<128xi32, #tpu.memory_space<hbm>>) dst(%arg10 : memref<128xi32, #tpu.memory_space<vmem>>)
      tpu.yield
    }) : () -> ()
    %dma_start3A = arith.constant 0 : i32
    %dma_start3A_5 = tpu.memref_slice %arg2[%dma_start3A] : memref<1000000xf32, #tpu.memory_space<hbm>> -> memref<1000000xf32, #tpu.memory_space<hbm>>
    tpu.enqueue_indirect_dma source(%dma_start3A_5 : memref<1000000xf32, #tpu.memory_space<hbm>>) target(%arg11 : memref<128xf32, #tpu.memory_space<vmem>>) offsets(%arg10 : memref<128xi32, #tpu.memory_space<vmem>>) semaphore(%arg15 : memref<!tpu.dma_semaphore, #tpu.memory_space<semaphore_mem>>)
    %dma_wait3A = arith.constant 0 : i32
    %dma_wait3A_6 = tpu.memref_slice %arg2[%dma_wait3A] : memref<1000000xf32, #tpu.memory_space<hbm>> -> memref<1000000xf32, #tpu.memory_space<hbm>>
    tpu.wait_indirect_dma semaphore(%arg15 : memref<!tpu.dma_semaphore, #tpu.memory_space<semaphore_mem>>) src(%dma_wait3A_6 : memref<1000000xf32, #tpu.memory_space<hbm>>) dst(%arg11 : memref<128xf32, #tpu.memory_space<vmem>>)
    %dma_start3A_7 = arith.constant 0 : i32
    %dma_start3A_8 = tpu.memref_slice %arg3[%dma_start3A_7] : memref<1000000xf32, #tpu.memory_space<hbm>> -> memref<1000000xf32, #tpu.memory_space<hbm>>
    tpu.enqueue_indirect_dma source(%dma_start3A_8 : memref<1000000xf32, #tpu.memory_space<hbm>>) target(%arg12 : memref<128xf32, #tpu.memory_space<vmem>>) offsets(%arg10 : memref<128xi32, #tpu.memory_space<vmem>>) semaphore(%arg15 : memref<!tpu.dma_semaphore, #tpu.memory_space<semaphore_mem>>)
    %dma_wait3A_9 = arith.constant 0 : i32
    %dma_wait3A_10 = tpu.memref_slice %arg3[%dma_wait3A_9] : memref<1000000xf32, #tpu.memory_space<hbm>> -> memref<1000000xf32, #tpu.memory_space<hbm>>
    tpu.wait_indirect_dma semaphore(%arg15 : memref<!tpu.dma_semaphore, #tpu.memory_space<semaphore_mem>>) src(%dma_wait3A_10 : memref<1000000xf32, #tpu.memory_space<hbm>>) dst(%arg12 : memref<128xf32, #tpu.memory_space<vmem>>)
    %get3A = arith.constant 0 : index
    %get3A_11 = tpu.vector_load %arg10[%get3A] {strides = array<i32>} : memref<128xi32, #tpu.memory_space<vmem>>, vector<16xi32>,
    %get3A_12 = vector.shape_cast %get3A_11 : vector<16xi32> to vector<16xi32>
    %get3A_13 = arith.constant 0 : index
    %get3A_14 = tpu.vector_load %arg11[%get3A_13] {strides = array<i32>} : memref<128xf32, #tpu.memory_space<vmem>>, vector<16xf32>,
    %get3A_15 = vector.shape_cast %get3A_14 : vector<16xf32> to vector<16xf32>
    %get3A_16 = arith.constant 0 : index
    %get3A_17 = tpu.vector_load %arg12[%get3A_16] {strides = array<i32>} : memref<128xf32, #tpu.memory_space<vmem>>, vector<16xf32>,
    %get3A_18 = vector.shape_cast %get3A_17 : vector<16xf32> to vector<16xf32>
    %add3A_19 = arith.constant 9.01091289 : f32
    %add3A_20 = vector.broadcast %add3A_19 : f32 to vector<16xf32>
    %add3A_21 = arith.addf %get3A_18, %add3A_20 : vector<16xf32>
    %sub3A = arith.subf %get3A_15, %add3A_21 : vector<16xf32>
    %swap3A = arith.constant 0 : index
    %swap3A_22 = tpu.vector_load %arg13[%swap3A] {strides = array<i32>} : memref<128xf32, #tpu.memory_space<vmem>>, vector<16xf32>,
    %swap3A_23 = vector.shape_cast %swap3A_22 : vector<16xf32> to vector<16xf32>
    %swap3A_24 = vector.shape_cast %sub3A : vector<16xf32> to vector<16xf32>
    tpu.vector_store %arg13[%swap3A], %swap3A_24 {strides = array<i32>} : memref<128xf32, #tpu.memory_space<vmem>>, vector<16xf32>,
    %shift_right_logical3A = arith.constant 13 : i32
    %shift_right_logical3A_25 = vector.broadcast %shift_right_logical3A : i32 to vector<16xi32>
    %shift_right_logical3A_26 = arith.shrui %get3A_12, %shift_right_logical3A_25 : vector<16xi32>
    %and3A = arith.constant 3 : i32
    %and3A_27 = vector.broadcast %and3A : i32 to vector<16xi32>
    %and3A_28 = arith.andi %shift_right_logical3A_26, %and3A_27 : vector<16xi32>
    %convert_element_type3A = arith.sitofp %and3A_28 : vector<16xi32> to vector<16xf32>
    %swap3A_29 = arith.constant 0 : index
    %swap3A_30 = tpu.vector_load %arg14[%swap3A_29] {strides = array<i32>} : memref<128xf32, #tpu.memory_space<vmem>>, vector<16xf32>,
    %swap3A_31 = vector.shape_cast %swap3A_30 : vector<16xf32> to vector<16xf32>
    %swap3A_32 = vector.shape_cast %convert_element_type3A : vector<16xf32> to vector<16xf32>
    tpu.vector_store %arg14[%swap3A_29], %swap3A_32 {strides = array<i32>} : memref<128xf32, #tpu.memory_space<vmem>>, vector<16xf32>,
    %get3A_33 = arith.constant 16 : index
    %get3A_34 = tpu.vector_load %arg10[%get3A_33] {strides = array<i32>} : memref<128xi32, #tpu.memory_space<vmem>>, vector<16xi32>,
    %get3A_35 = vector.shape_cast %get3A_34 : vector<16xi32> to vector<16xi32>
    %get3A_36 = arith.constant 16 : index
    %get3A_37 = tpu.vector_load %arg11[%get3A_36] {strides = array<i32>} : memref<128xf32, #tpu.memory_space<vmem>>, vector<16xf32>,
    %get3A_38 = vector.shape_cast %get3A_37 : vector<16xf32> to vector<16xf32>
    %get3A_39 = arith.constant 16 : index
    %get3A_40 = tpu.vector_load %arg12[%get3A_39] {strides = array<i32>} : memref<128xf32, #tpu.memory_space<vmem>>, vector<16xf32>,
    %get3A_41 = vector.shape_cast %get3A_40 : vector<16xf32> to vector<16xf32>
    %add3A_42 = arith.constant 9.01091289 : f32
    %add3A_43 = vector.broadcast %add3A_42 : f32 to vector<16xf32>
    %add3A_44 = arith.addf %get3A_41, %add3A_43 : vector<16xf32>
    %sub3A_45 = arith.subf %get3A_38, %add3A_44 : vector<16xf32>
    %swap3A_46 = arith.constant 16 : index
    %swap3A_47 = tpu.vector_load %arg13[%swap3A_46] {strides = array<i32>} : memref<128xf32, #tpu.memory_space<vmem>>, vector<16xf32>,
    %swap3A_48 = vector.shape_cast %swap3A_47 : vector<16xf32> to vector<16xf32>
    %swap3A_49 = vector.shape_cast %sub3A_45 : vector<16xf32> to vector<16xf32>
    tpu.vector_store %arg13[%swap3A_46], %swap3A_49 {strides = array<i32>} : memref<128xf32, #tpu.memory_space<vmem>>, vector<16xf32>,
    %shift_right_logical3A_50 = arith.constant 13 : i32
    %shift_right_logical3A_51 = vector.broadcast %shift_right_logical3A_50 : i32 to vector<16xi32>
    %shift_right_logical3A_52 = arith.shrui %get3A_35, %shift_right_logical3A_51 : vector<16xi32>
    %and3A_53 = arith.constant 3 : i32
    %and3A_54 = vector.broadcast %and3A_53 : i32 to vector<16xi32>
    %and3A_55 = arith.andi %shift_right_logical3A_52, %and3A_54 : vector<16xi32>
    %convert_element_type3A_56 = arith.sitofp %and3A_55 : vector<16xi32> to vector<16xf32>
    %swap3A_57 = arith.constant 16 : index
    %swap3A_58 = tpu.vector_load %arg14[%swap3A_57] {strides = array<i32>} : memref<128xf32, #tpu.memory_space<vmem>>, vector<16xf32>,
    %swap3A_59 = vector.shape_cast %swap3A_58 : vector<16xf32> to vector<16xf32>
    %swap3A_60 = vector.shape_cast %convert_element_type3A_56 : vector<16xf32> to vector<16xf32>
    tpu.vector_store %arg14[%swap3A_57], %swap3A_60 {strides = array<i32>} : memref<128xf32, #tpu.memory_space<vmem>>, vector<16xf32>,
    %get3A_61 = arith.constant 32 : index
    %get3A_62 = tpu.vector_load %arg10[%get3A_61] {strides = array<i32>} : memref<128xi32, #tpu.memory_space<vmem>>, vector<16xi32>,
    %get3A_63 = vector.shape_cast %get3A_62 : vector<16xi32> to vector<16xi32>
    %get3A_64 = arith.constant 32 : index
    %get3A_65 = tpu.vector_load %arg11[%get3A_64] {strides = array<i32>} : memref<128xf32, #tpu.memory_space<vmem>>, vector<16xf32>,
    %get3A_66 = vector.shape_cast %get3A_65 : vector<16xf32> to vector<16xf32>
    %get3A_67 = arith.constant 32 : index
    %get3A_68 = tpu.vector_load %arg12[%get3A_67] {strides = array<i32>} : memref<128xf32, #tpu.memory_space<vmem>>, vector<16xf32>,
    %get3A_69 = vector.shape_cast %get3A_68 : vector<16xf32> to vector<16xf32>
    %add3A_70 = arith.constant 9.01091289 : f32
    %add3A_71 = vector.broadcast %add3A_70 : f32 to vector<16xf32>
    %add3A_72 = arith.addf %get3A_69, %add3A_71 : vector<16xf32>
    %sub3A_73 = arith.subf %get3A_66, %add3A_72 : vector<16xf32>
    %swap3A_74 = arith.constant 32 : index
    %swap3A_75 = tpu.vector_load %arg13[%swap3A_74] {strides = array<i32>} : memref<128xf32, #tpu.memory_space<vmem>>, vector<16xf32>,
    %swap3A_76 = vector.shape_cast %swap3A_75 : vector<16xf32> to vector<16xf32>
    %swap3A_77 = vector.shape_cast %sub3A_73 : vector<16xf32> to vector<16xf32>
    tpu.vector_store %arg13[%swap3A_74], %swap3A_77 {strides = array<i32>} : memref<128xf32, #tpu.memory_space<vmem>>, vector<16xf32>,
    %shift_right_logical3A_78 = arith.constant 13 : i32
    %shift_right_logical3A_79 = vector.broadcast %shift_right_logical3A_78 : i32 to vector<16xi32>
    %shift_right_logical3A_80 = arith.shrui %get3A_63, %shift_right_logical3A_79 : vector<16xi32>
    %and3A_81 = arith.constant 3 : i32
    %and3A_82 = vector.broadcast %and3A_81 : i32 to vector<16xi32>
    %and3A_83 = arith.andi %shift_right_logical3A_80, %and3A_82 : vector<16xi32>
    %convert_element_type3A_84 = arith.sitofp %and3A_83 : vector<16xi32> to vector<16xf32>
    %swap3A_85 = arith.constant 32 : index
    %swap3A_86 = tpu.vector_load %arg14[%swap3A_85] {strides = array<i32>} : memref<128xf32, #tpu.memory_space<vmem>>, vector<16xf32>,
    %swap3A_87 = vector.shape_cast %swap3A_86 : vector<16xf32> to vector<16xf32>
    %swap3A_88 = vector.shape_cast %convert_element_type3A_84 : vector<16xf32> to vector<16xf32>
    tpu.vector_store %arg14[%swap3A_85], %swap3A_88 {strides = array<i32>} : memref<128xf32, #tpu.memory_space<vmem>>, vector<16xf32>,
    %get3A_89 = arith.constant 48 : index
    %get3A_90 = tpu.vector_load %arg10[%get3A_89] {strides = array<i32>} : memref<128xi32, #tpu.memory_space<vmem>>, vector<16xi32>,
    %get3A_91 = vector.shape_cast %get3A_90 : vector<16xi32> to vector<16xi32>
    %get3A_92 = arith.constant 48 : index
    %get3A_93 = tpu.vector_load %arg11[%get3A_92] {strides = array<i32>} : memref<128xf32, #tpu.memory_space<vmem>>, vector<16xf32>,
    %get3A_94 = vector.shape_cast %get3A_93 : vector<16xf32> to vector<16xf32>
    %get3A_95 = arith.constant 48 : index
    %get3A_96 = tpu.vector_load %arg12[%get3A_95] {strides = array<i32>} : memref<128xf32, #tpu.memory_space<vmem>>, vector<16xf32>,
    %get3A_97 = vector.shape_cast %get3A_96 : vector<16xf32> to vector<16xf32>
    %add3A_98 = arith.constant 9.01091289 : f32
    %add3A_99 = vector.broadcast %add3A_98 : f32 to vector<16xf32>
    %add3A_100 = arith.addf %get3A_97, %add3A_99 : vector<16xf32>
    %sub3A_101 = arith.subf %get3A_94, %add3A_100 : vector<16xf32>
    %swap3A_102 = arith.constant 48 : index
    %swap3A_103 = tpu.vector_load %arg13[%swap3A_102] {strides = array<i32>} : memref<128xf32, #tpu.memory_space<vmem>>, vector<16xf32>,
    %swap3A_104 = vector.shape_cast %swap3A_103 : vector<16xf32> to vector<16xf32>
    %swap3A_105 = vector.shape_cast %sub3A_101 : vector<16xf32> to vector<16xf32>
    tpu.vector_store %arg13[%swap3A_102], %swap3A_105 {strides = array<i32>} : memref<128xf32, #tpu.memory_space<vmem>>, vector<16xf32>,
    %shift_right_logical3A_106 = arith.constant 13 : i32
    %shift_right_logical3A_107 = vector.broadcast %shift_right_logical3A_106 : i32 to vector<16xi32>
    %shift_right_logical3A_108 = arith.shrui %get3A_91, %shift_right_logical3A_107 : vector<16xi32>
    %and3A_109 = arith.constant 3 : i32
    %and3A_110 = vector.broadcast %and3A_109 : i32 to vector<16xi32>
    %and3A_111 = arith.andi %shift_right_logical3A_108, %and3A_110 : vector<16xi32>
    %convert_element_type3A_112 = arith.sitofp %and3A_111 : vector<16xi32> to vector<16xf32>
    %swap3A_113 = arith.constant 48 : index
    %swap3A_114 = tpu.vector_load %arg14[%swap3A_113] {strides = array<i32>} : memref<128xf32, #tpu.memory_space<vmem>>, vector<16xf32>,
    %swap3A_115 = vector.shape_cast %swap3A_114 : vector<16xf32> to vector<16xf32>
    %swap3A_116 = vector.shape_cast %convert_element_type3A_112 : vector<16xf32> to vector<16xf32>
    tpu.vector_store %arg14[%swap3A_113], %swap3A_116 {strides = array<i32>} : memref<128xf32, #tpu.memory_space<vmem>>, vector<16xf32>,
    %get3A_117 = arith.constant 64 : index
    %get3A_118 = tpu.vector_load %arg10[%get3A_117] {strides = array<i32>} : memref<128xi32, #tpu.memory_space<vmem>>, vector<16xi32>,
    %get3A_119 = vector.shape_cast %get3A_118 : vector<16xi32> to vector<16xi32>
    %get3A_120 = arith.constant 64 : index
    %get3A_121 = tpu.vector_load %arg11[%get3A_120] {strides = array<i32>} : memref<128xf32, #tpu.memory_space<vmem>>, vector<16xf32>,
    %get3A_122 = vector.shape_cast %get3A_121 : vector<16xf32> to vector<16xf32>
    %get3A_123 = arith.constant 64 : index
    %get3A_124 = tpu.vector_load %arg12[%get3A_123] {strides = array<i32>} : memref<128xf32, #tpu.memory_space<vmem>>, vector<16xf32>,
    %get3A_125 = vector.shape_cast %get3A_124 : vector<16xf32> to vector<16xf32>
    %add3A_126 = arith.constant 9.01091289 : f32
    %add3A_127 = vector.broadcast %add3A_126 : f32 to vector<16xf32>
    %add3A_128 = arith.addf %get3A_125, %add3A_127 : vector<16xf32>
    %sub3A_129 = arith.subf %get3A_122, %add3A_128 : vector<16xf32>
    %swap3A_130 = arith.constant 64 : index
    %swap3A_131 = tpu.vector_load %arg13[%swap3A_130] {strides = array<i32>} : memref<128xf32, #tpu.memory_space<vmem>>, vector<16xf32>,
    %swap3A_132 = vector.shape_cast %swap3A_131 : vector<16xf32> to vector<16xf32>
    %swap3A_133 = vector.shape_cast %sub3A_129 : vector<16xf32> to vector<16xf32>
    tpu.vector_store %arg13[%swap3A_130], %swap3A_133 {strides = array<i32>} : memref<128xf32, #tpu.memory_space<vmem>>, vector<16xf32>,
    %shift_right_logical3A_134 = arith.constant 13 : i32
    %shift_right_logical3A_135 = vector.broadcast %shift_right_logical3A_134 : i32 to vector<16xi32>
    %shift_right_logical3A_136 = arith.shrui %get3A_119, %shift_right_logical3A_135 : vector<16xi32>
    %and3A_137 = arith.constant 3 : i32
    %and3A_138 = vector.broadcast %and3A_137 : i32 to vector<16xi32>
    %and3A_139 = arith.andi %shift_right_logical3A_136, %and3A_138 : vector<16xi32>
    %convert_element_type3A_140 = arith.sitofp %and3A_139 : vector<16xi32> to vector<16xf32>
    %swap3A_141 = arith.constant 64 : index
    %swap3A_142 = tpu.vector_load %arg14[%swap3A_141] {strides = array<i32>} : memref<128xf32, #tpu.memory_space<vmem>>, vector<16xf32>,
    %swap3A_143 = vector.shape_cast %swap3A_142 : vector<16xf32> to vector<16xf32>
    %swap3A_144 = vector.shape_cast %convert_element_type3A_140 : vector<16xf32> to vector<16xf32>
    tpu.vector_store %arg14[%swap3A_141], %swap3A_144 {strides = array<i32>} : memref<128xf32, #tpu.memory_space<vmem>>, vector<16xf32>,
    %get3A_145 = arith.constant 80 : index
    %get3A_146 = tpu.vector_load %arg10[%get3A_145] {strides = array<i32>} : memref<128xi32, #tpu.memory_space<vmem>>, vector<16xi32>,
    %get3A_147 = vector.shape_cast %get3A_146 : vector<16xi32> to vector<16xi32>
    %get3A_148 = arith.constant 80 : index
    %get3A_149 = tpu.vector_load %arg11[%get3A_148] {strides = array<i32>} : memref<128xf32, #tpu.memory_space<vmem>>, vector<16xf32>,
    %get3A_150 = vector.shape_cast %get3A_149 : vector<16xf32> to vector<16xf32>
    %get3A_151 = arith.constant 80 : index
    %get3A_152 = tpu.vector_load %arg12[%get3A_151] {strides = array<i32>} : memref<128xf32, #tpu.memory_space<vmem>>, vector<16xf32>,
    %get3A_153 = vector.shape_cast %get3A_152 : vector<16xf32> to vector<16xf32>
    %add3A_154 = arith.constant 9.01091289 : f32
    %add3A_155 = vector.broadcast %add3A_154 : f32 to vector<16xf32>
    %add3A_156 = arith.addf %get3A_153, %add3A_155 : vector<16xf32>
    %sub3A_157 = arith.subf %get3A_150, %add3A_156 : vector<16xf32>
    %swap3A_158 = arith.constant 80 : index
    %swap3A_159 = tpu.vector_load %arg13[%swap3A_158] {strides = array<i32>} : memref<128xf32, #tpu.memory_space<vmem>>, vector<16xf32>,
    %swap3A_160 = vector.shape_cast %swap3A_159 : vector<16xf32> to vector<16xf32>
    %swap3A_161 = vector.shape_cast %sub3A_157 : vector<16xf32> to vector<16xf32>
    tpu.vector_store %arg13[%swap3A_158], %swap3A_161 {strides = array<i32>} : memref<128xf32, #tpu.memory_space<vmem>>, vector<16xf32>,
    %shift_right_logical3A_162 = arith.constant 13 : i32
    %shift_right_logical3A_163 = vector.broadcast %shift_right_logical3A_162 : i32 to vector<16xi32>
    %shift_right_logical3A_164 = arith.shrui %get3A_147, %shift_right_logical3A_163 : vector<16xi32>
    %and3A_165 = arith.constant 3 : i32
    %and3A_166 = vector.broadcast %and3A_165 : i32 to vector<16xi32>
    %and3A_167 = arith.andi %shift_right_logical3A_164, %and3A_166 : vector<16xi32>
    %convert_element_type3A_168 = arith.sitofp %and3A_167 : vector<16xi32> to vector<16xf32>
    %swap3A_169 = arith.constant 80 : index
    %swap3A_170 = tpu.vector_load %arg14[%swap3A_169] {strides = array<i32>} : memref<128xf32, #tpu.memory_space<vmem>>, vector<16xf32>,
    %swap3A_171 = vector.shape_cast %swap3A_170 : vector<16xf32> to vector<16xf32>
    %swap3A_172 = vector.shape_cast %convert_element_type3A_168 : vector<16xf32> to vector<16xf32>
    tpu.vector_store %arg14[%swap3A_169], %swap3A_172 {strides = array<i32>} : memref<128xf32, #tpu.memory_space<vmem>>, vector<16xf32>,
    %get3A_173 = arith.constant 96 : index
    %get3A_174 = tpu.vector_load %arg10[%get3A_173] {strides = array<i32>} : memref<128xi32, #tpu.memory_space<vmem>>, vector<16xi32>,
    %get3A_175 = vector.shape_cast %get3A_174 : vector<16xi32> to vector<16xi32>
    %get3A_176 = arith.constant 96 : index
    %get3A_177 = tpu.vector_load %arg11[%get3A_176] {strides = array<i32>} : memref<128xf32, #tpu.memory_space<vmem>>, vector<16xf32>,
    %get3A_178 = vector.shape_cast %get3A_177 : vector<16xf32> to vector<16xf32>
    %get3A_179 = arith.constant 96 : index
    %get3A_180 = tpu.vector_load %arg12[%get3A_179] {strides = array<i32>} : memref<128xf32, #tpu.memory_space<vmem>>, vector<16xf32>,
    %get3A_181 = vector.shape_cast %get3A_180 : vector<16xf32> to vector<16xf32>
    %add3A_182 = arith.constant 9.01091289 : f32
    %add3A_183 = vector.broadcast %add3A_182 : f32 to vector<16xf32>
    %add3A_184 = arith.addf %get3A_181, %add3A_183 : vector<16xf32>
    %sub3A_185 = arith.subf %get3A_178, %add3A_184 : vector<16xf32>
    %swap3A_186 = arith.constant 96 : index
    %swap3A_187 = tpu.vector_load %arg13[%swap3A_186] {strides = array<i32>} : memref<128xf32, #tpu.memory_space<vmem>>, vector<16xf32>,
    %swap3A_188 = vector.shape_cast %swap3A_187 : vector<16xf32> to vector<16xf32>
    %swap3A_189 = vector.shape_cast %sub3A_185 : vector<16xf32> to vector<16xf32>
    tpu.vector_store %arg13[%swap3A_186], %swap3A_189 {strides = array<i32>} : memref<128xf32, #tpu.memory_space<vmem>>, vector<16xf32>,
    %shift_right_logical3A_190 = arith.constant 13 : i32
    %shift_right_logical3A_191 = vector.broadcast %shift_right_logical3A_190 : i32 to vector<16xi32>
    %shift_right_logical3A_192 = arith.shrui %get3A_175, %shift_right_logical3A_191 : vector<16xi32>
    %and3A_193 = arith.constant 3 : i32
    %and3A_194 = vector.broadcast %and3A_193 : i32 to vector<16xi32>
    %and3A_195 = arith.andi %shift_right_logical3A_192, %and3A_194 : vector<16xi32>
    %convert_element_type3A_196 = arith.sitofp %and3A_195 : vector<16xi32> to vector<16xf32>
    %swap3A_197 = arith.constant 96 : index
    %swap3A_198 = tpu.vector_load %arg14[%swap3A_197] {strides = array<i32>} : memref<128xf32, #tpu.memory_space<vmem>>, vector<16xf32>,
    %swap3A_199 = vector.shape_cast %swap3A_198 : vector<16xf32> to vector<16xf32>
    %swap3A_200 = vector.shape_cast %convert_element_type3A_196 : vector<16xf32> to vector<16xf32>
    tpu.vector_store %arg14[%swap3A_197], %swap3A_200 {strides = array<i32>} : memref<128xf32, #tpu.memory_space<vmem>>, vector<16xf32>,
    %get3A_201 = arith.constant 112 : index
    %get3A_202 = tpu.vector_load %arg10[%get3A_201] {strides = array<i32>} : memref<128xi32, #tpu.memory_space<vmem>>, vector<16xi32>,
    %get3A_203 = vector.shape_cast %get3A_202 : vector<16xi32> to vector<16xi32>
    %get3A_204 = arith.constant 112 : index
    %get3A_205 = tpu.vector_load %arg11[%get3A_204] {strides = array<i32>} : memref<128xf32, #tpu.memory_space<vmem>>, vector<16xf32>,
    %get3A_206 = vector.shape_cast %get3A_205 : vector<16xf32> to vector<16xf32>
    %get3A_207 = arith.constant 112 : index
    %get3A_208 = tpu.vector_load %arg12[%get3A_207] {strides = array<i32>} : memref<128xf32, #tpu.memory_space<vmem>>, vector<16xf32>,
    %get3A_209 = vector.shape_cast %get3A_208 : vector<16xf32> to vector<16xf32>
    %add3A_210 = arith.constant 9.01091289 : f32
    %add3A_211 = vector.broadcast %add3A_210 : f32 to vector<16xf32>
    %add3A_212 = arith.addf %get3A_209, %add3A_211 : vector<16xf32>
    %sub3A_213 = arith.subf %get3A_206, %add3A_212 : vector<16xf32>
    %swap3A_214 = arith.constant 112 : index
    %swap3A_215 = tpu.vector_load %arg13[%swap3A_214] {strides = array<i32>} : memref<128xf32, #tpu.memory_space<vmem>>, vector<16xf32>,
    %swap3A_216 = vector.shape_cast %swap3A_215 : vector<16xf32> to vector<16xf32>
    %swap3A_217 = vector.shape_cast %sub3A_213 : vector<16xf32> to vector<16xf32>
    tpu.vector_store %arg13[%swap3A_214], %swap3A_217 {strides = array<i32>} : memref<128xf32, #tpu.memory_space<vmem>>, vector<16xf32>,
    %shift_right_logical3A_218 = arith.constant 13 : i32
    %shift_right_logical3A_219 = vector.broadcast %shift_right_logical3A_218 : i32 to vector<16xi32>
    %shift_right_logical3A_220 = arith.shrui %get3A_203, %shift_right_logical3A_219 : vector<16xi32>
    %and3A_221 = arith.constant 3 : i32
    %and3A_222 = vector.broadcast %and3A_221 : i32 to vector<16xi32>
    %and3A_223 = arith.andi %shift_right_logical3A_220, %and3A_222 : vector<16xi32>
    %convert_element_type3A_224 = arith.sitofp %and3A_223 : vector<16xi32> to vector<16xf32>
    %swap3A_225 = arith.constant 112 : index
    %swap3A_226 = tpu.vector_load %arg14[%swap3A_225] {strides = array<i32>} : memref<128xf32, #tpu.memory_space<vmem>>, vector<16xf32>,
    %swap3A_227 = vector.shape_cast %swap3A_226 : vector<16xf32> to vector<16xf32>
    %swap3A_228 = vector.shape_cast %convert_element_type3A_224 : vector<16xf32> to vector<16xf32>
    tpu.vector_store %arg14[%swap3A_225], %swap3A_228 {strides = array<i32>} : memref<128xf32, #tpu.memory_space<vmem>>, vector<16xf32>,
    "tpu.region"() ({
      %run_scoped3A = tpu.sem_alloc : memref<!tpu.dma_semaphore, #tpu.memory_space<semaphore_mem>>
      %dma_start3A_701 = tpu.memref_slice %arg6[%add3A_4] : memref<4096xf32, #tpu.memory_space<hbm>> -> memref<128xf32, #tpu.memory_space<hbm>>
      %dma_start3A_702 = tpu.memref_slice %arg6[%add3A_4] : memref<4096xf32, #tpu.memory_space<hbm>> -> memref<128xf32, #tpu.memory_space<hbm>>
      tpu.enqueue_dma source(%arg13 : memref<128xf32, #tpu.memory_space<vmem>>) target(%dma_start3A_702 : memref<128xf32, #tpu.memory_space<hbm>>) target_semaphore(%run_scoped3A : memref<!tpu.dma_semaphore, #tpu.memory_space<semaphore_mem>>)
      %dma_wait3A_703 = tpu.memref_slice %arg6[%add3A_4] : memref<4096xf32, #tpu.memory_space<hbm>> -> memref<128xf32, #tpu.memory_space<hbm>>
      %dma_wait3A_704 = tpu.memref_slice %arg6[%add3A_4] : memref<4096xf32, #tpu.memory_space<hbm>> -> memref<128xf32, #tpu.memory_space<hbm>>
      tpu.wait_dma2 semaphore(%run_scoped3A : memref<!tpu.dma_semaphore, #tpu.memory_space<semaphore_mem>>) src(%arg13 : memref<128xf32, #tpu.memory_space<vmem>>) dst(%dma_wait3A_704 : memref<128xf32, #tpu.memory_space<hbm>>)
      tpu.yield
    }) : () -> ()
    "tpu.region"() ({
      %run_scoped3A = tpu.sem_alloc : memref<!tpu.dma_semaphore, #tpu.memory_space<semaphore_mem>>
      %dma_start3A_701 = tpu.memref_slice %arg8[%add3A_4] : memref<4096xf32, #tpu.memory_space<hbm>> -> memref<128xf32, #tpu.memory_space<hbm>>
      %dma_start3A_702 = tpu.memref_slice %arg8[%add3A_4] : memref<4096xf32, #tpu.memory_space<hbm>> -> memref<128xf32, #tpu.memory_space<hbm>>
      tpu.enqueue_dma source(%arg14 : memref<128xf32, #tpu.memory_space<vmem>>) target(%dma_start3A_702 : memref<128xf32, #tpu.memory_space<hbm>>) target_semaphore(%run_scoped3A : memref<!tpu.dma_semaphore, #tpu.memory_space<semaphore_mem>>)
      %dma_wait3A_703 = tpu.memref_slice %arg8[%add3A_4] : memref<4096xf32, #tpu.memory_space<hbm>> -> memref<128xf32, #tpu.memory_space<hbm>>
      %dma_wait3A_704 = tpu.memref_slice %arg8[%add3A_4] : memref<4096xf32, #tpu.memory_space<hbm>> -> memref<128xf32, #tpu.memory_space<hbm>>
      tpu.wait_dma2 semaphore(%run_scoped3A : memref<!tpu.dma_semaphore, #tpu.memory_space<semaphore_mem>>) src(%arg14 : memref<128xf32, #tpu.memory_space<vmem>>) dst(%dma_wait3A_704 : memref<128xf32, #tpu.memory_space<hbm>>)
      tpu.yield
    }) : () -> ()
    %mul3A_229 = arith.constant 256 : i32
    %mul3A_230 = arith.muli %add3A, %mul3A_229 : i32
    %add3A_231 = arith.constant 0 : i32
    %add3A_232 = arith.addi %mul3A_230, %add3A_231 : i32
    "tpu.region"() ({
      %run_scoped3A = tpu.sem_alloc : memref<!tpu.dma_semaphore, #tpu.memory_space<semaphore_mem>>
      %dma_start3A_701 = tpu.memref_slice %arg5[%add3A_232] : memref<8192xi32, #tpu.memory_space<hbm>> -> memref<128xi32, #tpu.memory_space<hbm>>
      %dma_start3A_702 = tpu.memref_slice %arg5[%add3A_232] : memref<8192xi32, #tpu.memory_space<hbm>> -> memref<128xi32, #tpu.memory_space<hbm>>
      tpu.enqueue_dma source(%dma_start3A_702 : memref<128xi32, #tpu.memory_space<hbm>>) target(%arg10 : memref<128xi32, #tpu.memory_space<vmem>>) target_semaphore(%run_scoped3A : memref<!tpu.dma_semaphore, #tpu.memory_space<semaphore_mem>>)
      %dma_wait3A_703 = tpu.memref_slice %arg5[%add3A_232] : memref<8192xi32, #tpu.memory_space<hbm>> -> memref<128xi32, #tpu.memory_space<hbm>>
      %dma_wait3A_704 = tpu.memref_slice %arg5[%add3A_232] : memref<8192xi32, #tpu.memory_space<hbm>> -> memref<128xi32, #tpu.memory_space<hbm>>
      tpu.wait_dma2 semaphore(%run_scoped3A : memref<!tpu.dma_semaphore, #tpu.memory_space<semaphore_mem>>) src(%dma_wait3A_704 : memref<128xi32, #tpu.memory_space<hbm>>) dst(%arg10 : memref<128xi32, #tpu.memory_space<vmem>>)
      tpu.yield
    }) : () -> ()
    %dma_start3A_233 = arith.constant 0 : i32
    %dma_start3A_234 = tpu.memref_slice %arg2[%dma_start3A_233] : memref<1000000xf32, #tpu.memory_space<hbm>> -> memref<1000000xf32, #tpu.memory_space<hbm>>
    tpu.enqueue_indirect_dma source(%dma_start3A_234 : memref<1000000xf32, #tpu.memory_space<hbm>>) target(%arg11 : memref<128xf32, #tpu.memory_space<vmem>>) offsets(%arg10 : memref<128xi32, #tpu.memory_space<vmem>>) semaphore(%arg15 : memref<!tpu.dma_semaphore, #tpu.memory_space<semaphore_mem>>)
    %dma_wait3A_235 = arith.constant 0 : i32
    %dma_wait3A_236 = tpu.memref_slice %arg2[%dma_wait3A_235] : memref<1000000xf32, #tpu.memory_space<hbm>> -> memref<1000000xf32, #tpu.memory_space<hbm>>
    tpu.wait_indirect_dma semaphore(%arg15 : memref<!tpu.dma_semaphore, #tpu.memory_space<semaphore_mem>>) src(%dma_wait3A_236 : memref<1000000xf32, #tpu.memory_space<hbm>>) dst(%arg11 : memref<128xf32, #tpu.memory_space<vmem>>)
    %dma_start3A_237 = arith.constant 0 : i32
    %dma_start3A_238 = tpu.memref_slice %arg3[%dma_start3A_237] : memref<1000000xf32, #tpu.memory_space<hbm>> -> memref<1000000xf32, #tpu.memory_space<hbm>>
    tpu.enqueue_indirect_dma source(%dma_start3A_238 : memref<1000000xf32, #tpu.memory_space<hbm>>) target(%arg12 : memref<128xf32, #tpu.memory_space<vmem>>) offsets(%arg10 : memref<128xi32, #tpu.memory_space<vmem>>) semaphore(%arg15 : memref<!tpu.dma_semaphore, #tpu.memory_space<semaphore_mem>>)
    %dma_wait3A_239 = arith.constant 0 : i32
    %dma_wait3A_240 = tpu.memref_slice %arg3[%dma_wait3A_239] : memref<1000000xf32, #tpu.memory_space<hbm>> -> memref<1000000xf32, #tpu.memory_space<hbm>>
    tpu.wait_indirect_dma semaphore(%arg15 : memref<!tpu.dma_semaphore, #tpu.memory_space<semaphore_mem>>) src(%dma_wait3A_240 : memref<1000000xf32, #tpu.memory_space<hbm>>) dst(%arg12 : memref<128xf32, #tpu.memory_space<vmem>>)
    %get3A_241 = arith.constant 0 : index
    %get3A_242 = tpu.vector_load %arg10[%get3A_241] {strides = array<i32>} : memref<128xi32, #tpu.memory_space<vmem>>, vector<16xi32>,
    %get3A_243 = vector.shape_cast %get3A_242 : vector<16xi32> to vector<16xi32>
    %get3A_244 = arith.constant 0 : index
    %get3A_245 = tpu.vector_load %arg11[%get3A_244] {strides = array<i32>} : memref<128xf32, #tpu.memory_space<vmem>>, vector<16xf32>,
    %get3A_246 = vector.shape_cast %get3A_245 : vector<16xf32> to vector<16xf32>
    %get3A_247 = arith.constant 0 : index
    %get3A_248 = tpu.vector_load %arg12[%get3A_247] {strides = array<i32>} : memref<128xf32, #tpu.memory_space<vmem>>, vector<16xf32>,
    %get3A_249 = vector.shape_cast %get3A_248 : vector<16xf32> to vector<16xf32>
    %add3A_250 = arith.constant 9.01091289 : f32
    %add3A_251 = vector.broadcast %add3A_250 : f32 to vector<16xf32>
    %add3A_252 = arith.addf %get3A_249, %add3A_251 : vector<16xf32>
    %sub3A_253 = arith.subf %get3A_246, %add3A_252 : vector<16xf32>
    %swap3A_254 = arith.constant 0 : index
    %swap3A_255 = tpu.vector_load %arg13[%swap3A_254] {strides = array<i32>} : memref<128xf32, #tpu.memory_space<vmem>>, vector<16xf32>,
    %swap3A_256 = vector.shape_cast %swap3A_255 : vector<16xf32> to vector<16xf32>
    %swap3A_257 = vector.shape_cast %sub3A_253 : vector<16xf32> to vector<16xf32>
    tpu.vector_store %arg13[%swap3A_254], %swap3A_257 {strides = array<i32>} : memref<128xf32, #tpu.memory_space<vmem>>, vector<16xf32>,
    %shift_right_logical3A_258 = arith.constant 13 : i32
    %shift_right_logical3A_259 = vector.broadcast %shift_right_logical3A_258 : i32 to vector<16xi32>
    %shift_right_logical3A_260 = arith.shrui %get3A_243, %shift_right_logical3A_259 : vector<16xi32>
    %and3A_261 = arith.constant 3 : i32
    %and3A_262 = vector.broadcast %and3A_261 : i32 to vector<16xi32>
    %and3A_263 = arith.andi %shift_right_logical3A_260, %and3A_262 : vector<16xi32>
    %convert_element_type3A_264 = arith.sitofp %and3A_263 : vector<16xi32> to vector<16xf32>
    %swap3A_265 = arith.constant 0 : index
    %swap3A_266 = tpu.vector_load %arg14[%swap3A_265] {strides = array<i32>} : memref<128xf32, #tpu.memory_space<vmem>>, vector<16xf32>,
    %swap3A_267 = vector.shape_cast %swap3A_266 : vector<16xf32> to vector<16xf32>
    %swap3A_268 = vector.shape_cast %convert_element_type3A_264 : vector<16xf32> to vector<16xf32>
    tpu.vector_store %arg14[%swap3A_265], %swap3A_268 {strides = array<i32>} : memref<128xf32, #tpu.memory_space<vmem>>, vector<16xf32>,
    %get3A_269 = arith.constant 16 : index
    %get3A_270 = tpu.vector_load %arg10[%get3A_269] {strides = array<i32>} : memref<128xi32, #tpu.memory_space<vmem>>, vector<16xi32>,
    %get3A_271 = vector.shape_cast %get3A_270 : vector<16xi32> to vector<16xi32>
    %get3A_272 = arith.constant 16 : index
    %get3A_273 = tpu.vector_load %arg11[%get3A_272] {strides = array<i32>} : memref<128xf32, #tpu.memory_space<vmem>>, vector<16xf32>,
    %get3A_274 = vector.shape_cast %get3A_273 : vector<16xf32> to vector<16xf32>
    %get3A_275 = arith.constant 16 : index
    %get3A_276 = tpu.vector_load %arg12[%get3A_275] {strides = array<i32>} : memref<128xf32, #tpu.memory_space<vmem>>, vector<16xf32>,
    %get3A_277 = vector.shape_cast %get3A_276 : vector<16xf32> to vector<16xf32>
    %add3A_278 = arith.constant 9.01091289 : f32
    %add3A_279 = vector.broadcast %add3A_278 : f32 to vector<16xf32>
    %add3A_280 = arith.addf %get3A_277, %add3A_279 : vector<16xf32>
    %sub3A_281 = arith.subf %get3A_274, %add3A_280 : vector<16xf32>
    %swap3A_282 = arith.constant 16 : index
    %swap3A_283 = tpu.vector_load %arg13[%swap3A_282] {strides = array<i32>} : memref<128xf32, #tpu.memory_space<vmem>>, vector<16xf32>,
    %swap3A_284 = vector.shape_cast %swap3A_283 : vector<16xf32> to vector<16xf32>
    %swap3A_285 = vector.shape_cast %sub3A_281 : vector<16xf32> to vector<16xf32>
    tpu.vector_store %arg13[%swap3A_282], %swap3A_285 {strides = array<i32>} : memref<128xf32, #tpu.memory_space<vmem>>, vector<16xf32>,
    %shift_right_logical3A_286 = arith.constant 13 : i32
    %shift_right_logical3A_287 = vector.broadcast %shift_right_logical3A_286 : i32 to vector<16xi32>
    %shift_right_logical3A_288 = arith.shrui %get3A_271, %shift_right_logical3A_287 : vector<16xi32>
    %and3A_289 = arith.constant 3 : i32
    %and3A_290 = vector.broadcast %and3A_289 : i32 to vector<16xi32>
    %and3A_291 = arith.andi %shift_right_logical3A_288, %and3A_290 : vector<16xi32>
    %convert_element_type3A_292 = arith.sitofp %and3A_291 : vector<16xi32> to vector<16xf32>
    %swap3A_293 = arith.constant 16 : index
    %swap3A_294 = tpu.vector_load %arg14[%swap3A_293] {strides = array<i32>} : memref<128xf32, #tpu.memory_space<vmem>>, vector<16xf32>,
    %swap3A_295 = vector.shape_cast %swap3A_294 : vector<16xf32> to vector<16xf32>
    %swap3A_296 = vector.shape_cast %convert_element_type3A_292 : vector<16xf32> to vector<16xf32>
    tpu.vector_store %arg14[%swap3A_293], %swap3A_296 {strides = array<i32>} : memref<128xf32, #tpu.memory_space<vmem>>, vector<16xf32>,
    %get3A_297 = arith.constant 32 : index
    %get3A_298 = tpu.vector_load %arg10[%get3A_297] {strides = array<i32>} : memref<128xi32, #tpu.memory_space<vmem>>, vector<16xi32>,
    %get3A_299 = vector.shape_cast %get3A_298 : vector<16xi32> to vector<16xi32>
    %get3A_300 = arith.constant 32 : index
    %get3A_301 = tpu.vector_load %arg11[%get3A_300] {strides = array<i32>} : memref<128xf32, #tpu.memory_space<vmem>>, vector<16xf32>,
    %get3A_302 = vector.shape_cast %get3A_301 : vector<16xf32> to vector<16xf32>
    %get3A_303 = arith.constant 32 : index
    %get3A_304 = tpu.vector_load %arg12[%get3A_303] {strides = array<i32>} : memref<128xf32, #tpu.memory_space<vmem>>, vector<16xf32>,
    %get3A_305 = vector.shape_cast %get3A_304 : vector<16xf32> to vector<16xf32>
    %add3A_306 = arith.constant 9.01091289 : f32
    %add3A_307 = vector.broadcast %add3A_306 : f32 to vector<16xf32>
    %add3A_308 = arith.addf %get3A_305, %add3A_307 : vector<16xf32>
    %sub3A_309 = arith.subf %get3A_302, %add3A_308 : vector<16xf32>
    %swap3A_310 = arith.constant 32 : index
    %swap3A_311 = tpu.vector_load %arg13[%swap3A_310] {strides = array<i32>} : memref<128xf32, #tpu.memory_space<vmem>>, vector<16xf32>,
    %swap3A_312 = vector.shape_cast %swap3A_311 : vector<16xf32> to vector<16xf32>
    %swap3A_313 = vector.shape_cast %sub3A_309 : vector<16xf32> to vector<16xf32>
    tpu.vector_store %arg13[%swap3A_310], %swap3A_313 {strides = array<i32>} : memref<128xf32, #tpu.memory_space<vmem>>, vector<16xf32>,
    %shift_right_logical3A_314 = arith.constant 13 : i32
    %shift_right_logical3A_315 = vector.broadcast %shift_right_logical3A_314 : i32 to vector<16xi32>
    %shift_right_logical3A_316 = arith.shrui %get3A_299, %shift_right_logical3A_315 : vector<16xi32>
    %and3A_317 = arith.constant 3 : i32
    %and3A_318 = vector.broadcast %and3A_317 : i32 to vector<16xi32>
    %and3A_319 = arith.andi %shift_right_logical3A_316, %and3A_318 : vector<16xi32>
    %convert_element_type3A_320 = arith.sitofp %and3A_319 : vector<16xi32> to vector<16xf32>
    %swap3A_321 = arith.constant 32 : index
    %swap3A_322 = tpu.vector_load %arg14[%swap3A_321] {strides = array<i32>} : memref<128xf32, #tpu.memory_space<vmem>>, vector<16xf32>,
    %swap3A_323 = vector.shape_cast %swap3A_322 : vector<16xf32> to vector<16xf32>
    %swap3A_324 = vector.shape_cast %convert_element_type3A_320 : vector<16xf32> to vector<16xf32>
    tpu.vector_store %arg14[%swap3A_321], %swap3A_324 {strides = array<i32>} : memref<128xf32, #tpu.memory_space<vmem>>, vector<16xf32>,
    %get3A_325 = arith.constant 48 : index
    %get3A_326 = tpu.vector_load %arg10[%get3A_325] {strides = array<i32>} : memref<128xi32, #tpu.memory_space<vmem>>, vector<16xi32>,
    %get3A_327 = vector.shape_cast %get3A_326 : vector<16xi32> to vector<16xi32>
    %get3A_328 = arith.constant 48 : index
    %get3A_329 = tpu.vector_load %arg11[%get3A_328] {strides = array<i32>} : memref<128xf32, #tpu.memory_space<vmem>>, vector<16xf32>,
    %get3A_330 = vector.shape_cast %get3A_329 : vector<16xf32> to vector<16xf32>
    %get3A_331 = arith.constant 48 : index
    %get3A_332 = tpu.vector_load %arg12[%get3A_331] {strides = array<i32>} : memref<128xf32, #tpu.memory_space<vmem>>, vector<16xf32>,
    %get3A_333 = vector.shape_cast %get3A_332 : vector<16xf32> to vector<16xf32>
    %add3A_334 = arith.constant 9.01091289 : f32
    %add3A_335 = vector.broadcast %add3A_334 : f32 to vector<16xf32>
    %add3A_336 = arith.addf %get3A_333, %add3A_335 : vector<16xf32>
    %sub3A_337 = arith.subf %get3A_330, %add3A_336 : vector<16xf32>
    %swap3A_338 = arith.constant 48 : index
    %swap3A_339 = tpu.vector_load %arg13[%swap3A_338] {strides = array<i32>} : memref<128xf32, #tpu.memory_space<vmem>>, vector<16xf32>,
    %swap3A_340 = vector.shape_cast %swap3A_339 : vector<16xf32> to vector<16xf32>
    %swap3A_341 = vector.shape_cast %sub3A_337 : vector<16xf32> to vector<16xf32>
    tpu.vector_store %arg13[%swap3A_338], %swap3A_341 {strides = array<i32>} : memref<128xf32, #tpu.memory_space<vmem>>, vector<16xf32>,
    %shift_right_logical3A_342 = arith.constant 13 : i32
    %shift_right_logical3A_343 = vector.broadcast %shift_right_logical3A_342 : i32 to vector<16xi32>
    %shift_right_logical3A_344 = arith.shrui %get3A_327, %shift_right_logical3A_343 : vector<16xi32>
    %and3A_345 = arith.constant 3 : i32
    %and3A_346 = vector.broadcast %and3A_345 : i32 to vector<16xi32>
    %and3A_347 = arith.andi %shift_right_logical3A_344, %and3A_346 : vector<16xi32>
    %convert_element_type3A_348 = arith.sitofp %and3A_347 : vector<16xi32> to vector<16xf32>
    %swap3A_349 = arith.constant 48 : index
    %swap3A_350 = tpu.vector_load %arg14[%swap3A_349] {strides = array<i32>} : memref<128xf32, #tpu.memory_space<vmem>>, vector<16xf32>,
    %swap3A_351 = vector.shape_cast %swap3A_350 : vector<16xf32> to vector<16xf32>
    %swap3A_352 = vector.shape_cast %convert_element_type3A_348 : vector<16xf32> to vector<16xf32>
    tpu.vector_store %arg14[%swap3A_349], %swap3A_352 {strides = array<i32>} : memref<128xf32, #tpu.memory_space<vmem>>, vector<16xf32>,
    %get3A_353 = arith.constant 64 : index
    %get3A_354 = tpu.vector_load %arg10[%get3A_353] {strides = array<i32>} : memref<128xi32, #tpu.memory_space<vmem>>, vector<16xi32>,
    %get3A_355 = vector.shape_cast %get3A_354 : vector<16xi32> to vector<16xi32>
    %get3A_356 = arith.constant 64 : index
    %get3A_357 = tpu.vector_load %arg11[%get3A_356] {strides = array<i32>} : memref<128xf32, #tpu.memory_space<vmem>>, vector<16xf32>,
    %get3A_358 = vector.shape_cast %get3A_357 : vector<16xf32> to vector<16xf32>
    %get3A_359 = arith.constant 64 : index
    %get3A_360 = tpu.vector_load %arg12[%get3A_359] {strides = array<i32>} : memref<128xf32, #tpu.memory_space<vmem>>, vector<16xf32>,
    %get3A_361 = vector.shape_cast %get3A_360 : vector<16xf32> to vector<16xf32>
    %add3A_362 = arith.constant 9.01091289 : f32
    %add3A_363 = vector.broadcast %add3A_362 : f32 to vector<16xf32>
    %add3A_364 = arith.addf %get3A_361, %add3A_363 : vector<16xf32>
    %sub3A_365 = arith.subf %get3A_358, %add3A_364 : vector<16xf32>
    %swap3A_366 = arith.constant 64 : index
    %swap3A_367 = tpu.vector_load %arg13[%swap3A_366] {strides = array<i32>} : memref<128xf32, #tpu.memory_space<vmem>>, vector<16xf32>,
    %swap3A_368 = vector.shape_cast %swap3A_367 : vector<16xf32> to vector<16xf32>
    %swap3A_369 = vector.shape_cast %sub3A_365 : vector<16xf32> to vector<16xf32>
    tpu.vector_store %arg13[%swap3A_366], %swap3A_369 {strides = array<i32>} : memref<128xf32, #tpu.memory_space<vmem>>, vector<16xf32>,
    %shift_right_logical3A_370 = arith.constant 13 : i32
    %shift_right_logical3A_371 = vector.broadcast %shift_right_logical3A_370 : i32 to vector<16xi32>
    %shift_right_logical3A_372 = arith.shrui %get3A_355, %shift_right_logical3A_371 : vector<16xi32>
    %and3A_373 = arith.constant 3 : i32
    %and3A_374 = vector.broadcast %and3A_373 : i32 to vector<16xi32>
    %and3A_375 = arith.andi %shift_right_logical3A_372, %and3A_374 : vector<16xi32>
    %convert_element_type3A_376 = arith.sitofp %and3A_375 : vector<16xi32> to vector<16xf32>
    %swap3A_377 = arith.constant 64 : index
    %swap3A_378 = tpu.vector_load %arg14[%swap3A_377] {strides = array<i32>} : memref<128xf32, #tpu.memory_space<vmem>>, vector<16xf32>,
    %swap3A_379 = vector.shape_cast %swap3A_378 : vector<16xf32> to vector<16xf32>
    %swap3A_380 = vector.shape_cast %convert_element_type3A_376 : vector<16xf32> to vector<16xf32>
    tpu.vector_store %arg14[%swap3A_377], %swap3A_380 {strides = array<i32>} : memref<128xf32, #tpu.memory_space<vmem>>, vector<16xf32>,
    %get3A_381 = arith.constant 80 : index
    %get3A_382 = tpu.vector_load %arg10[%get3A_381] {strides = array<i32>} : memref<128xi32, #tpu.memory_space<vmem>>, vector<16xi32>,
    %get3A_383 = vector.shape_cast %get3A_382 : vector<16xi32> to vector<16xi32>
    %get3A_384 = arith.constant 80 : index
    %get3A_385 = tpu.vector_load %arg11[%get3A_384] {strides = array<i32>} : memref<128xf32, #tpu.memory_space<vmem>>, vector<16xf32>,
    %get3A_386 = vector.shape_cast %get3A_385 : vector<16xf32> to vector<16xf32>
    %get3A_387 = arith.constant 80 : index
    %get3A_388 = tpu.vector_load %arg12[%get3A_387] {strides = array<i32>} : memref<128xf32, #tpu.memory_space<vmem>>, vector<16xf32>,
    %get3A_389 = vector.shape_cast %get3A_388 : vector<16xf32> to vector<16xf32>
    %add3A_390 = arith.constant 9.01091289 : f32
    %add3A_391 = vector.broadcast %add3A_390 : f32 to vector<16xf32>
    %add3A_392 = arith.addf %get3A_389, %add3A_391 : vector<16xf32>
    %sub3A_393 = arith.subf %get3A_386, %add3A_392 : vector<16xf32>
    %swap3A_394 = arith.constant 80 : index
    %swap3A_395 = tpu.vector_load %arg13[%swap3A_394] {strides = array<i32>} : memref<128xf32, #tpu.memory_space<vmem>>, vector<16xf32>,
    %swap3A_396 = vector.shape_cast %swap3A_395 : vector<16xf32> to vector<16xf32>
    %swap3A_397 = vector.shape_cast %sub3A_393 : vector<16xf32> to vector<16xf32>
    tpu.vector_store %arg13[%swap3A_394], %swap3A_397 {strides = array<i32>} : memref<128xf32, #tpu.memory_space<vmem>>, vector<16xf32>,
    %shift_right_logical3A_398 = arith.constant 13 : i32
    %shift_right_logical3A_399 = vector.broadcast %shift_right_logical3A_398 : i32 to vector<16xi32>
    %shift_right_logical3A_400 = arith.shrui %get3A_383, %shift_right_logical3A_399 : vector<16xi32>
    %and3A_401 = arith.constant 3 : i32
    %and3A_402 = vector.broadcast %and3A_401 : i32 to vector<16xi32>
    %and3A_403 = arith.andi %shift_right_logical3A_400, %and3A_402 : vector<16xi32>
    %convert_element_type3A_404 = arith.sitofp %and3A_403 : vector<16xi32> to vector<16xf32>
    %swap3A_405 = arith.constant 80 : index
    %swap3A_406 = tpu.vector_load %arg14[%swap3A_405] {strides = array<i32>} : memref<128xf32, #tpu.memory_space<vmem>>, vector<16xf32>,
    %swap3A_407 = vector.shape_cast %swap3A_406 : vector<16xf32> to vector<16xf32>
    %swap3A_408 = vector.shape_cast %convert_element_type3A_404 : vector<16xf32> to vector<16xf32>
    tpu.vector_store %arg14[%swap3A_405], %swap3A_408 {strides = array<i32>} : memref<128xf32, #tpu.memory_space<vmem>>, vector<16xf32>,
    %get3A_409 = arith.constant 96 : index
    %get3A_410 = tpu.vector_load %arg10[%get3A_409] {strides = array<i32>} : memref<128xi32, #tpu.memory_space<vmem>>, vector<16xi32>,
    %get3A_411 = vector.shape_cast %get3A_410 : vector<16xi32> to vector<16xi32>
    %get3A_412 = arith.constant 96 : index
    %get3A_413 = tpu.vector_load %arg11[%get3A_412] {strides = array<i32>} : memref<128xf32, #tpu.memory_space<vmem>>, vector<16xf32>,
    %get3A_414 = vector.shape_cast %get3A_413 : vector<16xf32> to vector<16xf32>
    %get3A_415 = arith.constant 96 : index
    %get3A_416 = tpu.vector_load %arg12[%get3A_415] {strides = array<i32>} : memref<128xf32, #tpu.memory_space<vmem>>, vector<16xf32>,
    %get3A_417 = vector.shape_cast %get3A_416 : vector<16xf32> to vector<16xf32>
    %add3A_418 = arith.constant 9.01091289 : f32
    %add3A_419 = vector.broadcast %add3A_418 : f32 to vector<16xf32>
    %add3A_420 = arith.addf %get3A_417, %add3A_419 : vector<16xf32>
    %sub3A_421 = arith.subf %get3A_414, %add3A_420 : vector<16xf32>
    %swap3A_422 = arith.constant 96 : index
    %swap3A_423 = tpu.vector_load %arg13[%swap3A_422] {strides = array<i32>} : memref<128xf32, #tpu.memory_space<vmem>>, vector<16xf32>,
    %swap3A_424 = vector.shape_cast %swap3A_423 : vector<16xf32> to vector<16xf32>
    %swap3A_425 = vector.shape_cast %sub3A_421 : vector<16xf32> to vector<16xf32>
    tpu.vector_store %arg13[%swap3A_422], %swap3A_425 {strides = array<i32>} : memref<128xf32, #tpu.memory_space<vmem>>, vector<16xf32>,
    %shift_right_logical3A_426 = arith.constant 13 : i32
    %shift_right_logical3A_427 = vector.broadcast %shift_right_logical3A_426 : i32 to vector<16xi32>
    %shift_right_logical3A_428 = arith.shrui %get3A_411, %shift_right_logical3A_427 : vector<16xi32>
    %and3A_429 = arith.constant 3 : i32
    %and3A_430 = vector.broadcast %and3A_429 : i32 to vector<16xi32>
    %and3A_431 = arith.andi %shift_right_logical3A_428, %and3A_430 : vector<16xi32>
    %convert_element_type3A_432 = arith.sitofp %and3A_431 : vector<16xi32> to vector<16xf32>
    %swap3A_433 = arith.constant 96 : index
    %swap3A_434 = tpu.vector_load %arg14[%swap3A_433] {strides = array<i32>} : memref<128xf32, #tpu.memory_space<vmem>>, vector<16xf32>,
    %swap3A_435 = vector.shape_cast %swap3A_434 : vector<16xf32> to vector<16xf32>
    %swap3A_436 = vector.shape_cast %convert_element_type3A_432 : vector<16xf32> to vector<16xf32>
    tpu.vector_store %arg14[%swap3A_433], %swap3A_436 {strides = array<i32>} : memref<128xf32, #tpu.memory_space<vmem>>, vector<16xf32>,
    %get3A_437 = arith.constant 112 : index
    %get3A_438 = tpu.vector_load %arg10[%get3A_437] {strides = array<i32>} : memref<128xi32, #tpu.memory_space<vmem>>, vector<16xi32>,
    %get3A_439 = vector.shape_cast %get3A_438 : vector<16xi32> to vector<16xi32>
    %get3A_440 = arith.constant 112 : index
    %get3A_441 = tpu.vector_load %arg11[%get3A_440] {strides = array<i32>} : memref<128xf32, #tpu.memory_space<vmem>>, vector<16xf32>,
    %get3A_442 = vector.shape_cast %get3A_441 : vector<16xf32> to vector<16xf32>
    %get3A_443 = arith.constant 112 : index
    %get3A_444 = tpu.vector_load %arg12[%get3A_443] {strides = array<i32>} : memref<128xf32, #tpu.memory_space<vmem>>, vector<16xf32>,
    %get3A_445 = vector.shape_cast %get3A_444 : vector<16xf32> to vector<16xf32>
    %add3A_446 = arith.constant 9.01091289 : f32
    %add3A_447 = vector.broadcast %add3A_446 : f32 to vector<16xf32>
    %add3A_448 = arith.addf %get3A_445, %add3A_447 : vector<16xf32>
    %sub3A_449 = arith.subf %get3A_442, %add3A_448 : vector<16xf32>
    %swap3A_450 = arith.constant 112 : index
    %swap3A_451 = tpu.vector_load %arg13[%swap3A_450] {strides = array<i32>} : memref<128xf32, #tpu.memory_space<vmem>>, vector<16xf32>,
    %swap3A_452 = vector.shape_cast %swap3A_451 : vector<16xf32> to vector<16xf32>
    %swap3A_453 = vector.shape_cast %sub3A_449 : vector<16xf32> to vector<16xf32>
    tpu.vector_store %arg13[%swap3A_450], %swap3A_453 {strides = array<i32>} : memref<128xf32, #tpu.memory_space<vmem>>, vector<16xf32>,
    %shift_right_logical3A_454 = arith.constant 13 : i32
    %shift_right_logical3A_455 = vector.broadcast %shift_right_logical3A_454 : i32 to vector<16xi32>
    %shift_right_logical3A_456 = arith.shrui %get3A_439, %shift_right_logical3A_455 : vector<16xi32>
    %and3A_457 = arith.constant 3 : i32
    %and3A_458 = vector.broadcast %and3A_457 : i32 to vector<16xi32>
    %and3A_459 = arith.andi %shift_right_logical3A_456, %and3A_458 : vector<16xi32>
    %convert_element_type3A_460 = arith.sitofp %and3A_459 : vector<16xi32> to vector<16xf32>
    %swap3A_461 = arith.constant 112 : index
    %swap3A_462 = tpu.vector_load %arg14[%swap3A_461] {strides = array<i32>} : memref<128xf32, #tpu.memory_space<vmem>>, vector<16xf32>,
    %swap3A_463 = vector.shape_cast %swap3A_462 : vector<16xf32> to vector<16xf32>
    %swap3A_464 = vector.shape_cast %convert_element_type3A_460 : vector<16xf32> to vector<16xf32>
    tpu.vector_store %arg14[%swap3A_461], %swap3A_464 {strides = array<i32>} : memref<128xf32, #tpu.memory_space<vmem>>, vector<16xf32>,
    "tpu.region"() ({
      %run_scoped3A = tpu.sem_alloc : memref<!tpu.dma_semaphore, #tpu.memory_space<semaphore_mem>>
      %dma_start3A_701 = tpu.memref_slice %arg7[%add3A_232] : memref<8192xf32, #tpu.memory_space<hbm>> -> memref<128xf32, #tpu.memory_space<hbm>>
      %dma_start3A_702 = tpu.memref_slice %arg7[%add3A_232] : memref<8192xf32, #tpu.memory_space<hbm>> -> memref<128xf32, #tpu.memory_space<hbm>>
      tpu.enqueue_dma source(%arg13 : memref<128xf32, #tpu.memory_space<vmem>>) target(%dma_start3A_702 : memref<128xf32, #tpu.memory_space<hbm>>) target_semaphore(%run_scoped3A : memref<!tpu.dma_semaphore, #tpu.memory_space<semaphore_mem>>)
      %dma_wait3A_703 = tpu.memref_slice %arg7[%add3A_232] : memref<8192xf32, #tpu.memory_space<hbm>> -> memref<128xf32, #tpu.memory_space<hbm>>
      %dma_wait3A_704 = tpu.memref_slice %arg7[%add3A_232] : memref<8192xf32, #tpu.memory_space<hbm>> -> memref<128xf32, #tpu.memory_space<hbm>>
      tpu.wait_dma2 semaphore(%run_scoped3A : memref<!tpu.dma_semaphore, #tpu.memory_space<semaphore_mem>>) src(%arg13 : memref<128xf32, #tpu.memory_space<vmem>>) dst(%dma_wait3A_704 : memref<128xf32, #tpu.memory_space<hbm>>)
      tpu.yield
    }) : () -> ()
    "tpu.region"() ({
      %run_scoped3A = tpu.sem_alloc : memref<!tpu.dma_semaphore, #tpu.memory_space<semaphore_mem>>
      %dma_start3A_701 = tpu.memref_slice %arg9[%add3A_232] : memref<8192xf32, #tpu.memory_space<hbm>> -> memref<128xf32, #tpu.memory_space<hbm>>
      %dma_start3A_702 = tpu.memref_slice %arg9[%add3A_232] : memref<8192xf32, #tpu.memory_space<hbm>> -> memref<128xf32, #tpu.memory_space<hbm>>
      tpu.enqueue_dma source(%arg14 : memref<128xf32, #tpu.memory_space<vmem>>) target(%dma_start3A_702 : memref<128xf32, #tpu.memory_space<hbm>>) target_semaphore(%run_scoped3A : memref<!tpu.dma_semaphore, #tpu.memory_space<semaphore_mem>>)
      %dma_wait3A_703 = tpu.memref_slice %arg9[%add3A_232] : memref<8192xf32, #tpu.memory_space<hbm>> -> memref<128xf32, #tpu.memory_space<hbm>>
      %dma_wait3A_704 = tpu.memref_slice %arg9[%add3A_232] : memref<8192xf32, #tpu.memory_space<hbm>> -> memref<128xf32, #tpu.memory_space<hbm>>
      tpu.wait_dma2 semaphore(%run_scoped3A : memref<!tpu.dma_semaphore, #tpu.memory_space<semaphore_mem>>) src(%arg14 : memref<128xf32, #tpu.memory_space<vmem>>) dst(%dma_wait3A_704 : memref<128xf32, #tpu.memory_space<hbm>>)
      tpu.yield
    }) : () -> ()
    %mul3A_465 = arith.constant 256 : i32
    %mul3A_466 = arith.muli %add3A, %mul3A_465 : i32
    %add3A_467 = arith.constant 128 : i32
    %add3A_468 = arith.addi %mul3A_466, %add3A_467 : i32
    "tpu.region"() ({
      %run_scoped3A = tpu.sem_alloc : memref<!tpu.dma_semaphore, #tpu.memory_space<semaphore_mem>>
      %dma_start3A_701 = tpu.memref_slice %arg5[%add3A_468] : memref<8192xi32, #tpu.memory_space<hbm>> -> memref<128xi32, #tpu.memory_space<hbm>>
      %dma_start3A_702 = tpu.memref_slice %arg5[%add3A_468] : memref<8192xi32, #tpu.memory_space<hbm>> -> memref<128xi32, #tpu.memory_space<hbm>>
      tpu.enqueue_dma source(%dma_start3A_702 : memref<128xi32, #tpu.memory_space<hbm>>) target(%arg10 : memref<128xi32, #tpu.memory_space<vmem>>) target_semaphore(%run_scoped3A : memref<!tpu.dma_semaphore, #tpu.memory_space<semaphore_mem>>)
      %dma_wait3A_703 = tpu.memref_slice %arg5[%add3A_468] : memref<8192xi32, #tpu.memory_space<hbm>> -> memref<128xi32, #tpu.memory_space<hbm>>
      %dma_wait3A_704 = tpu.memref_slice %arg5[%add3A_468] : memref<8192xi32, #tpu.memory_space<hbm>> -> memref<128xi32, #tpu.memory_space<hbm>>
      tpu.wait_dma2 semaphore(%run_scoped3A : memref<!tpu.dma_semaphore, #tpu.memory_space<semaphore_mem>>) src(%dma_wait3A_704 : memref<128xi32, #tpu.memory_space<hbm>>) dst(%arg10 : memref<128xi32, #tpu.memory_space<vmem>>)
      tpu.yield
    }) : () -> ()
    %dma_start3A_469 = arith.constant 0 : i32
    %dma_start3A_470 = tpu.memref_slice %arg2[%dma_start3A_469] : memref<1000000xf32, #tpu.memory_space<hbm>> -> memref<1000000xf32, #tpu.memory_space<hbm>>
    tpu.enqueue_indirect_dma source(%dma_start3A_470 : memref<1000000xf32, #tpu.memory_space<hbm>>) target(%arg11 : memref<128xf32, #tpu.memory_space<vmem>>) offsets(%arg10 : memref<128xi32, #tpu.memory_space<vmem>>) semaphore(%arg15 : memref<!tpu.dma_semaphore, #tpu.memory_space<semaphore_mem>>)
    %dma_wait3A_471 = arith.constant 0 : i32
    %dma_wait3A_472 = tpu.memref_slice %arg2[%dma_wait3A_471] : memref<1000000xf32, #tpu.memory_space<hbm>> -> memref<1000000xf32, #tpu.memory_space<hbm>>
    tpu.wait_indirect_dma semaphore(%arg15 : memref<!tpu.dma_semaphore, #tpu.memory_space<semaphore_mem>>) src(%dma_wait3A_472 : memref<1000000xf32, #tpu.memory_space<hbm>>) dst(%arg11 : memref<128xf32, #tpu.memory_space<vmem>>)
    %dma_start3A_473 = arith.constant 0 : i32
    %dma_start3A_474 = tpu.memref_slice %arg3[%dma_start3A_473] : memref<1000000xf32, #tpu.memory_space<hbm>> -> memref<1000000xf32, #tpu.memory_space<hbm>>
    tpu.enqueue_indirect_dma source(%dma_start3A_474 : memref<1000000xf32, #tpu.memory_space<hbm>>) target(%arg12 : memref<128xf32, #tpu.memory_space<vmem>>) offsets(%arg10 : memref<128xi32, #tpu.memory_space<vmem>>) semaphore(%arg15 : memref<!tpu.dma_semaphore, #tpu.memory_space<semaphore_mem>>)
    %dma_wait3A_475 = arith.constant 0 : i32
    %dma_wait3A_476 = tpu.memref_slice %arg3[%dma_wait3A_475] : memref<1000000xf32, #tpu.memory_space<hbm>> -> memref<1000000xf32, #tpu.memory_space<hbm>>
    tpu.wait_indirect_dma semaphore(%arg15 : memref<!tpu.dma_semaphore, #tpu.memory_space<semaphore_mem>>) src(%dma_wait3A_476 : memref<1000000xf32, #tpu.memory_space<hbm>>) dst(%arg12 : memref<128xf32, #tpu.memory_space<vmem>>)
    %get3A_477 = arith.constant 0 : index
    %get3A_478 = tpu.vector_load %arg10[%get3A_477] {strides = array<i32>} : memref<128xi32, #tpu.memory_space<vmem>>, vector<16xi32>,
    %get3A_479 = vector.shape_cast %get3A_478 : vector<16xi32> to vector<16xi32>
    %get3A_480 = arith.constant 0 : index
    %get3A_481 = tpu.vector_load %arg11[%get3A_480] {strides = array<i32>} : memref<128xf32, #tpu.memory_space<vmem>>, vector<16xf32>,
    %get3A_482 = vector.shape_cast %get3A_481 : vector<16xf32> to vector<16xf32>
    %get3A_483 = arith.constant 0 : index
    %get3A_484 = tpu.vector_load %arg12[%get3A_483] {strides = array<i32>} : memref<128xf32, #tpu.memory_space<vmem>>, vector<16xf32>,
    %get3A_485 = vector.shape_cast %get3A_484 : vector<16xf32> to vector<16xf32>
    %add3A_486 = arith.constant 9.01091289 : f32
    %add3A_487 = vector.broadcast %add3A_486 : f32 to vector<16xf32>
    %add3A_488 = arith.addf %get3A_485, %add3A_487 : vector<16xf32>
    %sub3A_489 = arith.subf %get3A_482, %add3A_488 : vector<16xf32>
    %swap3A_490 = arith.constant 0 : index
    %swap3A_491 = tpu.vector_load %arg13[%swap3A_490] {strides = array<i32>} : memref<128xf32, #tpu.memory_space<vmem>>, vector<16xf32>,
    %swap3A_492 = vector.shape_cast %swap3A_491 : vector<16xf32> to vector<16xf32>
    %swap3A_493 = vector.shape_cast %sub3A_489 : vector<16xf32> to vector<16xf32>
    tpu.vector_store %arg13[%swap3A_490], %swap3A_493 {strides = array<i32>} : memref<128xf32, #tpu.memory_space<vmem>>, vector<16xf32>,
    %shift_right_logical3A_494 = arith.constant 13 : i32
    %shift_right_logical3A_495 = vector.broadcast %shift_right_logical3A_494 : i32 to vector<16xi32>
    %shift_right_logical3A_496 = arith.shrui %get3A_479, %shift_right_logical3A_495 : vector<16xi32>
    %and3A_497 = arith.constant 3 : i32
    %and3A_498 = vector.broadcast %and3A_497 : i32 to vector<16xi32>
    %and3A_499 = arith.andi %shift_right_logical3A_496, %and3A_498 : vector<16xi32>
    %convert_element_type3A_500 = arith.sitofp %and3A_499 : vector<16xi32> to vector<16xf32>
    %swap3A_501 = arith.constant 0 : index
    %swap3A_502 = tpu.vector_load %arg14[%swap3A_501] {strides = array<i32>} : memref<128xf32, #tpu.memory_space<vmem>>, vector<16xf32>,
    %swap3A_503 = vector.shape_cast %swap3A_502 : vector<16xf32> to vector<16xf32>
    %swap3A_504 = vector.shape_cast %convert_element_type3A_500 : vector<16xf32> to vector<16xf32>
    tpu.vector_store %arg14[%swap3A_501], %swap3A_504 {strides = array<i32>} : memref<128xf32, #tpu.memory_space<vmem>>, vector<16xf32>,
    %get3A_505 = arith.constant 16 : index
    %get3A_506 = tpu.vector_load %arg10[%get3A_505] {strides = array<i32>} : memref<128xi32, #tpu.memory_space<vmem>>, vector<16xi32>,
    %get3A_507 = vector.shape_cast %get3A_506 : vector<16xi32> to vector<16xi32>
    %get3A_508 = arith.constant 16 : index
    %get3A_509 = tpu.vector_load %arg11[%get3A_508] {strides = array<i32>} : memref<128xf32, #tpu.memory_space<vmem>>, vector<16xf32>,
    %get3A_510 = vector.shape_cast %get3A_509 : vector<16xf32> to vector<16xf32>
    %get3A_511 = arith.constant 16 : index
    %get3A_512 = tpu.vector_load %arg12[%get3A_511] {strides = array<i32>} : memref<128xf32, #tpu.memory_space<vmem>>, vector<16xf32>,
    %get3A_513 = vector.shape_cast %get3A_512 : vector<16xf32> to vector<16xf32>
    %add3A_514 = arith.constant 9.01091289 : f32
    %add3A_515 = vector.broadcast %add3A_514 : f32 to vector<16xf32>
    %add3A_516 = arith.addf %get3A_513, %add3A_515 : vector<16xf32>
    %sub3A_517 = arith.subf %get3A_510, %add3A_516 : vector<16xf32>
    %swap3A_518 = arith.constant 16 : index
    %swap3A_519 = tpu.vector_load %arg13[%swap3A_518] {strides = array<i32>} : memref<128xf32, #tpu.memory_space<vmem>>, vector<16xf32>,
    %swap3A_520 = vector.shape_cast %swap3A_519 : vector<16xf32> to vector<16xf32>
    %swap3A_521 = vector.shape_cast %sub3A_517 : vector<16xf32> to vector<16xf32>
    tpu.vector_store %arg13[%swap3A_518], %swap3A_521 {strides = array<i32>} : memref<128xf32, #tpu.memory_space<vmem>>, vector<16xf32>,
    %shift_right_logical3A_522 = arith.constant 13 : i32
    %shift_right_logical3A_523 = vector.broadcast %shift_right_logical3A_522 : i32 to vector<16xi32>
    %shift_right_logical3A_524 = arith.shrui %get3A_507, %shift_right_logical3A_523 : vector<16xi32>
    %and3A_525 = arith.constant 3 : i32
    %and3A_526 = vector.broadcast %and3A_525 : i32 to vector<16xi32>
    %and3A_527 = arith.andi %shift_right_logical3A_524, %and3A_526 : vector<16xi32>
    %convert_element_type3A_528 = arith.sitofp %and3A_527 : vector<16xi32> to vector<16xf32>
    %swap3A_529 = arith.constant 16 : index
    %swap3A_530 = tpu.vector_load %arg14[%swap3A_529] {strides = array<i32>} : memref<128xf32, #tpu.memory_space<vmem>>, vector<16xf32>,
    %swap3A_531 = vector.shape_cast %swap3A_530 : vector<16xf32> to vector<16xf32>
    %swap3A_532 = vector.shape_cast %convert_element_type3A_528 : vector<16xf32> to vector<16xf32>
    tpu.vector_store %arg14[%swap3A_529], %swap3A_532 {strides = array<i32>} : memref<128xf32, #tpu.memory_space<vmem>>, vector<16xf32>,
    %get3A_533 = arith.constant 32 : index
    %get3A_534 = tpu.vector_load %arg10[%get3A_533] {strides = array<i32>} : memref<128xi32, #tpu.memory_space<vmem>>, vector<16xi32>,
    %get3A_535 = vector.shape_cast %get3A_534 : vector<16xi32> to vector<16xi32>
    %get3A_536 = arith.constant 32 : index
    %get3A_537 = tpu.vector_load %arg11[%get3A_536] {strides = array<i32>} : memref<128xf32, #tpu.memory_space<vmem>>, vector<16xf32>,
    %get3A_538 = vector.shape_cast %get3A_537 : vector<16xf32> to vector<16xf32>
    %get3A_539 = arith.constant 32 : index
    %get3A_540 = tpu.vector_load %arg12[%get3A_539] {strides = array<i32>} : memref<128xf32, #tpu.memory_space<vmem>>, vector<16xf32>,
    %get3A_541 = vector.shape_cast %get3A_540 : vector<16xf32> to vector<16xf32>
    %add3A_542 = arith.constant 9.01091289 : f32
    %add3A_543 = vector.broadcast %add3A_542 : f32 to vector<16xf32>
    %add3A_544 = arith.addf %get3A_541, %add3A_543 : vector<16xf32>
    %sub3A_545 = arith.subf %get3A_538, %add3A_544 : vector<16xf32>
    %swap3A_546 = arith.constant 32 : index
    %swap3A_547 = tpu.vector_load %arg13[%swap3A_546] {strides = array<i32>} : memref<128xf32, #tpu.memory_space<vmem>>, vector<16xf32>,
    %swap3A_548 = vector.shape_cast %swap3A_547 : vector<16xf32> to vector<16xf32>
    %swap3A_549 = vector.shape_cast %sub3A_545 : vector<16xf32> to vector<16xf32>
    tpu.vector_store %arg13[%swap3A_546], %swap3A_549 {strides = array<i32>} : memref<128xf32, #tpu.memory_space<vmem>>, vector<16xf32>,
    %shift_right_logical3A_550 = arith.constant 13 : i32
    %shift_right_logical3A_551 = vector.broadcast %shift_right_logical3A_550 : i32 to vector<16xi32>
    %shift_right_logical3A_552 = arith.shrui %get3A_535, %shift_right_logical3A_551 : vector<16xi32>
    %and3A_553 = arith.constant 3 : i32
    %and3A_554 = vector.broadcast %and3A_553 : i32 to vector<16xi32>
    %and3A_555 = arith.andi %shift_right_logical3A_552, %and3A_554 : vector<16xi32>
    %convert_element_type3A_556 = arith.sitofp %and3A_555 : vector<16xi32> to vector<16xf32>
    %swap3A_557 = arith.constant 32 : index
    %swap3A_558 = tpu.vector_load %arg14[%swap3A_557] {strides = array<i32>} : memref<128xf32, #tpu.memory_space<vmem>>, vector<16xf32>,
    %swap3A_559 = vector.shape_cast %swap3A_558 : vector<16xf32> to vector<16xf32>
    %swap3A_560 = vector.shape_cast %convert_element_type3A_556 : vector<16xf32> to vector<16xf32>
    tpu.vector_store %arg14[%swap3A_557], %swap3A_560 {strides = array<i32>} : memref<128xf32, #tpu.memory_space<vmem>>, vector<16xf32>,
    %get3A_561 = arith.constant 48 : index
    %get3A_562 = tpu.vector_load %arg10[%get3A_561] {strides = array<i32>} : memref<128xi32, #tpu.memory_space<vmem>>, vector<16xi32>,
    %get3A_563 = vector.shape_cast %get3A_562 : vector<16xi32> to vector<16xi32>
    %get3A_564 = arith.constant 48 : index
    %get3A_565 = tpu.vector_load %arg11[%get3A_564] {strides = array<i32>} : memref<128xf32, #tpu.memory_space<vmem>>, vector<16xf32>,
    %get3A_566 = vector.shape_cast %get3A_565 : vector<16xf32> to vector<16xf32>
    %get3A_567 = arith.constant 48 : index
    %get3A_568 = tpu.vector_load %arg12[%get3A_567] {strides = array<i32>} : memref<128xf32, #tpu.memory_space<vmem>>, vector<16xf32>,
    %get3A_569 = vector.shape_cast %get3A_568 : vector<16xf32> to vector<16xf32>
    %add3A_570 = arith.constant 9.01091289 : f32
    %add3A_571 = vector.broadcast %add3A_570 : f32 to vector<16xf32>
    %add3A_572 = arith.addf %get3A_569, %add3A_571 : vector<16xf32>
    %sub3A_573 = arith.subf %get3A_566, %add3A_572 : vector<16xf32>
    %swap3A_574 = arith.constant 48 : index
    %swap3A_575 = tpu.vector_load %arg13[%swap3A_574] {strides = array<i32>} : memref<128xf32, #tpu.memory_space<vmem>>, vector<16xf32>,
    %swap3A_576 = vector.shape_cast %swap3A_575 : vector<16xf32> to vector<16xf32>
    %swap3A_577 = vector.shape_cast %sub3A_573 : vector<16xf32> to vector<16xf32>
    tpu.vector_store %arg13[%swap3A_574], %swap3A_577 {strides = array<i32>} : memref<128xf32, #tpu.memory_space<vmem>>, vector<16xf32>,
    %shift_right_logical3A_578 = arith.constant 13 : i32
    %shift_right_logical3A_579 = vector.broadcast %shift_right_logical3A_578 : i32 to vector<16xi32>
    %shift_right_logical3A_580 = arith.shrui %get3A_563, %shift_right_logical3A_579 : vector<16xi32>
    %and3A_581 = arith.constant 3 : i32
    %and3A_582 = vector.broadcast %and3A_581 : i32 to vector<16xi32>
    %and3A_583 = arith.andi %shift_right_logical3A_580, %and3A_582 : vector<16xi32>
    %convert_element_type3A_584 = arith.sitofp %and3A_583 : vector<16xi32> to vector<16xf32>
    %swap3A_585 = arith.constant 48 : index
    %swap3A_586 = tpu.vector_load %arg14[%swap3A_585] {strides = array<i32>} : memref<128xf32, #tpu.memory_space<vmem>>, vector<16xf32>,
    %swap3A_587 = vector.shape_cast %swap3A_586 : vector<16xf32> to vector<16xf32>
    %swap3A_588 = vector.shape_cast %convert_element_type3A_584 : vector<16xf32> to vector<16xf32>
    tpu.vector_store %arg14[%swap3A_585], %swap3A_588 {strides = array<i32>} : memref<128xf32, #tpu.memory_space<vmem>>, vector<16xf32>,
    %get3A_589 = arith.constant 64 : index
    %get3A_590 = tpu.vector_load %arg10[%get3A_589] {strides = array<i32>} : memref<128xi32, #tpu.memory_space<vmem>>, vector<16xi32>,
    %get3A_591 = vector.shape_cast %get3A_590 : vector<16xi32> to vector<16xi32>
    %get3A_592 = arith.constant 64 : index
    %get3A_593 = tpu.vector_load %arg11[%get3A_592] {strides = array<i32>} : memref<128xf32, #tpu.memory_space<vmem>>, vector<16xf32>,
    %get3A_594 = vector.shape_cast %get3A_593 : vector<16xf32> to vector<16xf32>
    %get3A_595 = arith.constant 64 : index
    %get3A_596 = tpu.vector_load %arg12[%get3A_595] {strides = array<i32>} : memref<128xf32, #tpu.memory_space<vmem>>, vector<16xf32>,
    %get3A_597 = vector.shape_cast %get3A_596 : vector<16xf32> to vector<16xf32>
    %add3A_598 = arith.constant 9.01091289 : f32
    %add3A_599 = vector.broadcast %add3A_598 : f32 to vector<16xf32>
    %add3A_600 = arith.addf %get3A_597, %add3A_599 : vector<16xf32>
    %sub3A_601 = arith.subf %get3A_594, %add3A_600 : vector<16xf32>
    %swap3A_602 = arith.constant 64 : index
    %swap3A_603 = tpu.vector_load %arg13[%swap3A_602] {strides = array<i32>} : memref<128xf32, #tpu.memory_space<vmem>>, vector<16xf32>,
    %swap3A_604 = vector.shape_cast %swap3A_603 : vector<16xf32> to vector<16xf32>
    %swap3A_605 = vector.shape_cast %sub3A_601 : vector<16xf32> to vector<16xf32>
    tpu.vector_store %arg13[%swap3A_602], %swap3A_605 {strides = array<i32>} : memref<128xf32, #tpu.memory_space<vmem>>, vector<16xf32>,
    %shift_right_logical3A_606 = arith.constant 13 : i32
    %shift_right_logical3A_607 = vector.broadcast %shift_right_logical3A_606 : i32 to vector<16xi32>
    %shift_right_logical3A_608 = arith.shrui %get3A_591, %shift_right_logical3A_607 : vector<16xi32>
    %and3A_609 = arith.constant 3 : i32
    %and3A_610 = vector.broadcast %and3A_609 : i32 to vector<16xi32>
    %and3A_611 = arith.andi %shift_right_logical3A_608, %and3A_610 : vector<16xi32>
    %convert_element_type3A_612 = arith.sitofp %and3A_611 : vector<16xi32> to vector<16xf32>
    %swap3A_613 = arith.constant 64 : index
    %swap3A_614 = tpu.vector_load %arg14[%swap3A_613] {strides = array<i32>} : memref<128xf32, #tpu.memory_space<vmem>>, vector<16xf32>,
    %swap3A_615 = vector.shape_cast %swap3A_614 : vector<16xf32> to vector<16xf32>
    %swap3A_616 = vector.shape_cast %convert_element_type3A_612 : vector<16xf32> to vector<16xf32>
    tpu.vector_store %arg14[%swap3A_613], %swap3A_616 {strides = array<i32>} : memref<128xf32, #tpu.memory_space<vmem>>, vector<16xf32>,
    %get3A_617 = arith.constant 80 : index
    %get3A_618 = tpu.vector_load %arg10[%get3A_617] {strides = array<i32>} : memref<128xi32, #tpu.memory_space<vmem>>, vector<16xi32>,
    %get3A_619 = vector.shape_cast %get3A_618 : vector<16xi32> to vector<16xi32>
    %get3A_620 = arith.constant 80 : index
    %get3A_621 = tpu.vector_load %arg11[%get3A_620] {strides = array<i32>} : memref<128xf32, #tpu.memory_space<vmem>>, vector<16xf32>,
    %get3A_622 = vector.shape_cast %get3A_621 : vector<16xf32> to vector<16xf32>
    %get3A_623 = arith.constant 80 : index
    %get3A_624 = tpu.vector_load %arg12[%get3A_623] {strides = array<i32>} : memref<128xf32, #tpu.memory_space<vmem>>, vector<16xf32>,
    %get3A_625 = vector.shape_cast %get3A_624 : vector<16xf32> to vector<16xf32>
    %add3A_626 = arith.constant 9.01091289 : f32
    %add3A_627 = vector.broadcast %add3A_626 : f32 to vector<16xf32>
    %add3A_628 = arith.addf %get3A_625, %add3A_627 : vector<16xf32>
    %sub3A_629 = arith.subf %get3A_622, %add3A_628 : vector<16xf32>
    %swap3A_630 = arith.constant 80 : index
    %swap3A_631 = tpu.vector_load %arg13[%swap3A_630] {strides = array<i32>} : memref<128xf32, #tpu.memory_space<vmem>>, vector<16xf32>,
    %swap3A_632 = vector.shape_cast %swap3A_631 : vector<16xf32> to vector<16xf32>
    %swap3A_633 = vector.shape_cast %sub3A_629 : vector<16xf32> to vector<16xf32>
    tpu.vector_store %arg13[%swap3A_630], %swap3A_633 {strides = array<i32>} : memref<128xf32, #tpu.memory_space<vmem>>, vector<16xf32>,
    %shift_right_logical3A_634 = arith.constant 13 : i32
    %shift_right_logical3A_635 = vector.broadcast %shift_right_logical3A_634 : i32 to vector<16xi32>
    %shift_right_logical3A_636 = arith.shrui %get3A_619, %shift_right_logical3A_635 : vector<16xi32>
    %and3A_637 = arith.constant 3 : i32
    %and3A_638 = vector.broadcast %and3A_637 : i32 to vector<16xi32>
    %and3A_639 = arith.andi %shift_right_logical3A_636, %and3A_638 : vector<16xi32>
    %convert_element_type3A_640 = arith.sitofp %and3A_639 : vector<16xi32> to vector<16xf32>
    %swap3A_641 = arith.constant 80 : index
    %swap3A_642 = tpu.vector_load %arg14[%swap3A_641] {strides = array<i32>} : memref<128xf32, #tpu.memory_space<vmem>>, vector<16xf32>,
    %swap3A_643 = vector.shape_cast %swap3A_642 : vector<16xf32> to vector<16xf32>
    %swap3A_644 = vector.shape_cast %convert_element_type3A_640 : vector<16xf32> to vector<16xf32>
    tpu.vector_store %arg14[%swap3A_641], %swap3A_644 {strides = array<i32>} : memref<128xf32, #tpu.memory_space<vmem>>, vector<16xf32>,
    %get3A_645 = arith.constant 96 : index
    %get3A_646 = tpu.vector_load %arg10[%get3A_645] {strides = array<i32>} : memref<128xi32, #tpu.memory_space<vmem>>, vector<16xi32>,
    %get3A_647 = vector.shape_cast %get3A_646 : vector<16xi32> to vector<16xi32>
    %get3A_648 = arith.constant 96 : index
    %get3A_649 = tpu.vector_load %arg11[%get3A_648] {strides = array<i32>} : memref<128xf32, #tpu.memory_space<vmem>>, vector<16xf32>,
    %get3A_650 = vector.shape_cast %get3A_649 : vector<16xf32> to vector<16xf32>
    %get3A_651 = arith.constant 96 : index
    %get3A_652 = tpu.vector_load %arg12[%get3A_651] {strides = array<i32>} : memref<128xf32, #tpu.memory_space<vmem>>, vector<16xf32>,
    %get3A_653 = vector.shape_cast %get3A_652 : vector<16xf32> to vector<16xf32>
    %add3A_654 = arith.constant 9.01091289 : f32
    %add3A_655 = vector.broadcast %add3A_654 : f32 to vector<16xf32>
    %add3A_656 = arith.addf %get3A_653, %add3A_655 : vector<16xf32>
    %sub3A_657 = arith.subf %get3A_650, %add3A_656 : vector<16xf32>
    %swap3A_658 = arith.constant 96 : index
    %swap3A_659 = tpu.vector_load %arg13[%swap3A_658] {strides = array<i32>} : memref<128xf32, #tpu.memory_space<vmem>>, vector<16xf32>,
    %swap3A_660 = vector.shape_cast %swap3A_659 : vector<16xf32> to vector<16xf32>
    %swap3A_661 = vector.shape_cast %sub3A_657 : vector<16xf32> to vector<16xf32>
    tpu.vector_store %arg13[%swap3A_658], %swap3A_661 {strides = array<i32>} : memref<128xf32, #tpu.memory_space<vmem>>, vector<16xf32>,
    %shift_right_logical3A_662 = arith.constant 13 : i32
    %shift_right_logical3A_663 = vector.broadcast %shift_right_logical3A_662 : i32 to vector<16xi32>
    %shift_right_logical3A_664 = arith.shrui %get3A_647, %shift_right_logical3A_663 : vector<16xi32>
    %and3A_665 = arith.constant 3 : i32
    %and3A_666 = vector.broadcast %and3A_665 : i32 to vector<16xi32>
    %and3A_667 = arith.andi %shift_right_logical3A_664, %and3A_666 : vector<16xi32>
    %convert_element_type3A_668 = arith.sitofp %and3A_667 : vector<16xi32> to vector<16xf32>
    %swap3A_669 = arith.constant 96 : index
    %swap3A_670 = tpu.vector_load %arg14[%swap3A_669] {strides = array<i32>} : memref<128xf32, #tpu.memory_space<vmem>>, vector<16xf32>,
    %swap3A_671 = vector.shape_cast %swap3A_670 : vector<16xf32> to vector<16xf32>
    %swap3A_672 = vector.shape_cast %convert_element_type3A_668 : vector<16xf32> to vector<16xf32>
    tpu.vector_store %arg14[%swap3A_669], %swap3A_672 {strides = array<i32>} : memref<128xf32, #tpu.memory_space<vmem>>, vector<16xf32>,
    %get3A_673 = arith.constant 112 : index
    %get3A_674 = tpu.vector_load %arg10[%get3A_673] {strides = array<i32>} : memref<128xi32, #tpu.memory_space<vmem>>, vector<16xi32>,
    %get3A_675 = vector.shape_cast %get3A_674 : vector<16xi32> to vector<16xi32>
    %get3A_676 = arith.constant 112 : index
    %get3A_677 = tpu.vector_load %arg11[%get3A_676] {strides = array<i32>} : memref<128xf32, #tpu.memory_space<vmem>>, vector<16xf32>,
    %get3A_678 = vector.shape_cast %get3A_677 : vector<16xf32> to vector<16xf32>
    %get3A_679 = arith.constant 112 : index
    %get3A_680 = tpu.vector_load %arg12[%get3A_679] {strides = array<i32>} : memref<128xf32, #tpu.memory_space<vmem>>, vector<16xf32>,
    %get3A_681 = vector.shape_cast %get3A_680 : vector<16xf32> to vector<16xf32>
    %add3A_682 = arith.constant 9.01091289 : f32
    %add3A_683 = vector.broadcast %add3A_682 : f32 to vector<16xf32>
    %add3A_684 = arith.addf %get3A_681, %add3A_683 : vector<16xf32>
    %sub3A_685 = arith.subf %get3A_678, %add3A_684 : vector<16xf32>
    %swap3A_686 = arith.constant 112 : index
    %swap3A_687 = tpu.vector_load %arg13[%swap3A_686] {strides = array<i32>} : memref<128xf32, #tpu.memory_space<vmem>>, vector<16xf32>,
    %swap3A_688 = vector.shape_cast %swap3A_687 : vector<16xf32> to vector<16xf32>
    %swap3A_689 = vector.shape_cast %sub3A_685 : vector<16xf32> to vector<16xf32>
    tpu.vector_store %arg13[%swap3A_686], %swap3A_689 {strides = array<i32>} : memref<128xf32, #tpu.memory_space<vmem>>, vector<16xf32>,
    %shift_right_logical3A_690 = arith.constant 13 : i32
    %shift_right_logical3A_691 = vector.broadcast %shift_right_logical3A_690 : i32 to vector<16xi32>
    %shift_right_logical3A_692 = arith.shrui %get3A_675, %shift_right_logical3A_691 : vector<16xi32>
    %and3A_693 = arith.constant 3 : i32
    %and3A_694 = vector.broadcast %and3A_693 : i32 to vector<16xi32>
    %and3A_695 = arith.andi %shift_right_logical3A_692, %and3A_694 : vector<16xi32>
    %convert_element_type3A_696 = arith.sitofp %and3A_695 : vector<16xi32> to vector<16xf32>
    %swap3A_697 = arith.constant 112 : index
    %swap3A_698 = tpu.vector_load %arg14[%swap3A_697] {strides = array<i32>} : memref<128xf32, #tpu.memory_space<vmem>>, vector<16xf32>,
    %swap3A_699 = vector.shape_cast %swap3A_698 : vector<16xf32> to vector<16xf32>
    %swap3A_700 = vector.shape_cast %convert_element_type3A_696 : vector<16xf32> to vector<16xf32>
    tpu.vector_store %arg14[%swap3A_697], %swap3A_700 {strides = array<i32>} : memref<128xf32, #tpu.memory_space<vmem>>, vector<16xf32>,
    "tpu.region"() ({
      %run_scoped3A = tpu.sem_alloc : memref<!tpu.dma_semaphore, #tpu.memory_space<semaphore_mem>>
      %dma_start3A_701 = tpu.memref_slice %arg7[%add3A_468] : memref<8192xf32, #tpu.memory_space<hbm>> -> memref<128xf32, #tpu.memory_space<hbm>>
      %dma_start3A_702 = tpu.memref_slice %arg7[%add3A_468] : memref<8192xf32, #tpu.memory_space<hbm>> -> memref<128xf32, #tpu.memory_space<hbm>>
      tpu.enqueue_dma source(%arg13 : memref<128xf32, #tpu.memory_space<vmem>>) target(%dma_start3A_702 : memref<128xf32, #tpu.memory_space<hbm>>) target_semaphore(%run_scoped3A : memref<!tpu.dma_semaphore, #tpu.memory_space<semaphore_mem>>)
      %dma_wait3A_703 = tpu.memref_slice %arg7[%add3A_468] : memref<8192xf32, #tpu.memory_space<hbm>> -> memref<128xf32, #tpu.memory_space<hbm>>
      %dma_wait3A_704 = tpu.memref_slice %arg7[%add3A_468] : memref<8192xf32, #tpu.memory_space<hbm>> -> memref<128xf32, #tpu.memory_space<hbm>>
      tpu.wait_dma2 semaphore(%run_scoped3A : memref<!tpu.dma_semaphore, #tpu.memory_space<semaphore_mem>>) src(%arg13 : memref<128xf32, #tpu.memory_space<vmem>>) dst(%dma_wait3A_704 : memref<128xf32, #tpu.memory_space<hbm>>)
      tpu.yield
    }) : () -> ()
    "tpu.region"() ({
      %run_scoped3A = tpu.sem_alloc : memref<!tpu.dma_semaphore, #tpu.memory_space<semaphore_mem>>
      %dma_start3A_701 = tpu.memref_slice %arg9[%add3A_468] : memref<8192xf32, #tpu.memory_space<hbm>> -> memref<128xf32, #tpu.memory_space<hbm>>
      %dma_start3A_702 = tpu.memref_slice %arg9[%add3A_468] : memref<8192xf32, #tpu.memory_space<hbm>> -> memref<128xf32, #tpu.memory_space<hbm>>
      tpu.enqueue_dma source(%arg14 : memref<128xf32, #tpu.memory_space<vmem>>) target(%dma_start3A_702 : memref<128xf32, #tpu.memory_space<hbm>>) target_semaphore(%run_scoped3A : memref<!tpu.dma_semaphore, #tpu.memory_space<semaphore_mem>>)
      %dma_wait3A_703 = tpu.memref_slice %arg9[%add3A_468] : memref<8192xf32, #tpu.memory_space<hbm>> -> memref<128xf32, #tpu.memory_space<hbm>>
      %dma_wait3A_704 = tpu.memref_slice %arg9[%add3A_468] : memref<8192xf32, #tpu.memory_space<hbm>> -> memref<128xf32, #tpu.memory_space<hbm>>
      tpu.wait_dma2 semaphore(%run_scoped3A : memref<!tpu.dma_semaphore, #tpu.memory_space<semaphore_mem>>) src(%arg14 : memref<128xf32, #tpu.memory_space<vmem>>) dst(%dma_wait3A_704 : memref<128xf32, #tpu.memory_space<hbm>>)
      tpu.yield
    }) : () -> ()
    return
  }
}

module attributes {stable_mosaic.version = 14 : i64} {
  func.func @_pack_body(%arg0: i32, %arg1: memref<64x32768xf32, #tpu.memory_space<vmem>>, %arg2: memref<8192x128xf32, #tpu.memory_space<vmem>>) attributes {dimension_semantics = [#tpu.dimension_semantics<arbitrary>], iteration_bounds = array<i64: 31>, scalar_prefetch = 0 : i64, scratch_operands = 0 : i64, tpu.core_type = #tpu.core_type<tc>, window_params = [{transform_indices = @transform_0, window_bounds = array<i64: 64, 32768>}, {transform_indices = @transform_1, window_bounds = array<i64: 8192, 128>}]} {
    %get3A = arith.constant 0 : index
    %get3A_0 = arith.constant 0 : index
    %get3A_1 = vector.load %arg1[%get3A, %get3A_0] : memref<64x32768xf32, #tpu.memory_space<vmem>>, vector<64x32768xf32>
    %transpose3A = tpu.transpose %get3A_1, [1, 0] : vector<64x32768xf32> -> vector<32768x64xf32>
    %slice3A = vector.extract_strided_slice %transpose3A {offsets = [0, 0], sizes = [8192, 64], strides = [1, 1]} : vector<32768x64xf32> to vector<8192x64xf32>
    %slice3A_2 = vector.extract_strided_slice %transpose3A {offsets = [8192, 0], sizes = [8192, 64], strides = [1, 1]} : vector<32768x64xf32> to vector<8192x64xf32>
    %bitcast_convert_type3A = tpu.bitcast %slice3A : vector<8192x64xf32> -> vector<8192x64xi32>
    %add3A = arith.constant 32768 : i32
    %add3A_3 = vector.broadcast %add3A : i32 to vector<8192x64xi32>
    %add3A_4 = arith.addi %bitcast_convert_type3A, %add3A_3 : vector<8192x64xi32>
    %and3A = arith.constant -65536 : i32
    %and3A_5 = vector.broadcast %and3A : i32 to vector<8192x64xi32>
    %and3A_6 = arith.andi %add3A_4, %and3A_5 : vector<8192x64xi32>
    %bitcast_convert_type3A_7 = tpu.bitcast %slice3A_2 : vector<8192x64xf32> -> vector<8192x64xi32>
    %add3A_8 = arith.constant 32768 : i32
    %add3A_9 = vector.broadcast %add3A_8 : i32 to vector<8192x64xi32>
    %add3A_10 = arith.addi %bitcast_convert_type3A_7, %add3A_9 : vector<8192x64xi32>
    %shift_right_logical3A = arith.constant 16 : i32
    %shift_right_logical3A_11 = vector.broadcast %shift_right_logical3A : i32 to vector<8192x64xi32>
    %shift_right_logical3A_12 = arith.shrui %add3A_10, %shift_right_logical3A_11 : vector<8192x64xi32>
    %or3A = arith.ori %and3A_6, %shift_right_logical3A_12 : vector<8192x64xi32>
    %bitcast_convert_type3A_13 = tpu.bitcast %or3A : vector<8192x64xi32> -> vector<8192x64xf32>
    %slice3A_14 = vector.extract_strided_slice %transpose3A {offsets = [16384, 0], sizes = [8192, 64], strides = [1, 1]} : vector<32768x64xf32> to vector<8192x64xf32>
    %slice3A_15 = vector.extract_strided_slice %transpose3A {offsets = [24576, 0], sizes = [8192, 64], strides = [1, 1]} : vector<32768x64xf32> to vector<8192x64xf32>
    %bitcast_convert_type3A_16 = tpu.bitcast %slice3A_14 : vector<8192x64xf32> -> vector<8192x64xi32>
    %add3A_17 = arith.constant 32768 : i32
    %add3A_18 = vector.broadcast %add3A_17 : i32 to vector<8192x64xi32>
    %add3A_19 = arith.addi %bitcast_convert_type3A_16, %add3A_18 : vector<8192x64xi32>
    %and3A_20 = arith.constant -65536 : i32
    %and3A_21 = vector.broadcast %and3A_20 : i32 to vector<8192x64xi32>
    %and3A_22 = arith.andi %add3A_19, %and3A_21 : vector<8192x64xi32>
    %bitcast_convert_type3A_23 = tpu.bitcast %slice3A_15 : vector<8192x64xf32> -> vector<8192x64xi32>
    %add3A_24 = arith.constant 32768 : i32
    %add3A_25 = vector.broadcast %add3A_24 : i32 to vector<8192x64xi32>
    %add3A_26 = arith.addi %bitcast_convert_type3A_23, %add3A_25 : vector<8192x64xi32>
    %shift_right_logical3A_27 = arith.constant 16 : i32
    %shift_right_logical3A_28 = vector.broadcast %shift_right_logical3A_27 : i32 to vector<8192x64xi32>
    %shift_right_logical3A_29 = arith.shrui %add3A_26, %shift_right_logical3A_28 : vector<8192x64xi32>
    %or3A_30 = arith.ori %and3A_22, %shift_right_logical3A_29 : vector<8192x64xi32>
    %bitcast_convert_type3A_31 = tpu.bitcast %or3A_30 : vector<8192x64xi32> -> vector<8192x64xf32>
    %concatenate3A = tpu.concatenate %bitcast_convert_type3A_13, %bitcast_convert_type3A_31 in 1 : vector<8192x64xf32>, vector<8192x64xf32> -> vector<8192x128xf32>
    %swap3A = arith.constant 0 : index
    %swap3A_32 = arith.constant 0 : index
    %swap3A_33 = vector.load %arg2[%swap3A, %swap3A_32] : memref<8192x128xf32, #tpu.memory_space<vmem>>, vector<8192x128xf32>
    tpu.vector_store %arg2[%swap3A, %swap3A_32], %concatenate3A {strides = array<i32>} : memref<8192x128xf32, #tpu.memory_space<vmem>>, vector<8192x128xf32>,
    return
  }
  func.func @transform_0(%arg0: i32) -> (i32, i32) {
    %c0_i32 = arith.constant 0 : i32
    %c0_i32_0 = arith.constant 0 : i32
    return %c0_i32, %arg0 : i32, i32
  }
  func.func @transform_1(%arg0: i32) -> (i32, i32) {
    %c0_i32 = arith.constant 0 : i32
    %c0_i32_0 = arith.constant 0 : i32
    return %arg0, %c0_i32 : i32, i32
  }
}

module attributes {stable_mosaic.version = 14 : i64} {
  func.func @_tc_loss_T_body(%arg0: i32, %arg1: memref<512x128xf32, #tpu.memory_space<vmem>>, %arg2: memref<64x4096xf32, #tpu.memory_space<vmem>>, %arg3: memref<128x4096xf32, #tpu.memory_space<vmem>>, %arg4: memref<1x4096xf32, #tpu.memory_space<vmem>>, %arg5: memref<1x4096xf32, #tpu.memory_space<vmem>>, %arg6: memref<1x512xf32, #tpu.memory_space<vmem>>, %arg7: memref<1x512xf32, #tpu.memory_space<vmem>>, %arg8: memref<512x4096xf32, #tpu.memory_space<vmem>>) attributes {dimension_semantics = [#tpu.dimension_semantics<arbitrary>], iteration_bounds = array<i64: 17>, scalar_prefetch = 0 : i64, scratch_operands = 0 : i64, tpu.core_type = #tpu.core_type<tc>, window_params = [{transform_indices = @transform_0, window_bounds = array<i64: 512, 128>}, {pipeline_mode = #tpu.pipeline_mode<synchronous>, transform_indices = @transform_1, window_bounds = array<i64: 64, 4096>}, {pipeline_mode = #tpu.pipeline_mode<synchronous>, transform_indices = @transform_2, window_bounds = array<i64: 128, 4096>}, {pipeline_mode = #tpu.pipeline_mode<synchronous>, transform_indices = @transform_3, window_bounds = array<i64: 1, 4096>}, {pipeline_mode = #tpu.pipeline_mode<synchronous>, transform_indices = @transform_4, window_bounds = array<i64: 1, 4096>}, {transform_indices = @transform_5, window_bounds = array<i64: 1, 512>}, {transform_indices = @transform_6, window_bounds = array<i64: 1, 512>}, {transform_indices = @transform_7, window_bounds = array<i64: 512, 4096>}]} {
    %get3A = arith.constant 0 : index
    %get3A_0 = arith.constant 0 : index
    %get3A_1 = vector.load %arg2[%get3A, %get3A_0] : memref<64x4096xf32, #tpu.memory_space<vmem>>, vector<64x4096xf32>
    %get3A_2 = arith.constant 0 : index
    %get3A_3 = arith.constant 0 : index
    %get3A_4 = vector.load %arg1[%get3A_2, %get3A_3] : memref<512x128xf32, #tpu.memory_space<vmem>>, vector<512x128xf32>
    %get3A_5 = arith.constant 0 : index
    %get3A_6 = arith.constant 0 : index
    %get3A_7 = vector.load %arg7[%get3A_5, %get3A_6] : memref<1x512xf32, #tpu.memory_space<vmem>>, vector<1x512xf32>
    %transpose3A = tpu.transpose %get3A_7, [1, 0] : vector<1x512xf32> -> vector<512x1xf32>
    %slice3A = vector.extract_strided_slice %get3A_4 {offsets = [0, 0], sizes = [512, 64], strides = [1, 1]} : vector<512x128xf32> to vector<512x64xf32>
    %bitcast_convert_type3A = tpu.bitcast %slice3A : vector<512x64xf32> -> vector<512x64xi32>
    %and3A = arith.constant -65536 : i32
    %and3A_8 = vector.broadcast %and3A : i32 to vector<512x64xi32>
    %and3A_9 = arith.andi %bitcast_convert_type3A, %and3A_8 : vector<512x64xi32>
    %bitcast_convert_type3A_10 = tpu.bitcast %and3A_9 : vector<512x64xi32> -> vector<512x64xf32>
    %shift_left3A = arith.constant 16 : i32
    %shift_left3A_11 = vector.broadcast %shift_left3A : i32 to vector<512x64xi32>
    %shift_left3A_12 = arith.shli %bitcast_convert_type3A, %shift_left3A_11 : vector<512x64xi32>
    %bitcast_convert_type3A_13 = tpu.bitcast %shift_left3A_12 : vector<512x64xi32> -> vector<512x64xf32>
    %slice3A_14 = vector.extract_strided_slice %get3A_4 {offsets = [0, 64], sizes = [512, 64], strides = [1, 1]} : vector<512x128xf32> to vector<512x64xf32>
    %bitcast_convert_type3A_15 = tpu.bitcast %slice3A_14 : vector<512x64xf32> -> vector<512x64xi32>
    %and3A_16 = arith.constant -65536 : i32
    %and3A_17 = vector.broadcast %and3A_16 : i32 to vector<512x64xi32>
    %and3A_18 = arith.andi %bitcast_convert_type3A_15, %and3A_17 : vector<512x64xi32>
    %bitcast_convert_type3A_19 = tpu.bitcast %and3A_18 : vector<512x64xi32> -> vector<512x64xf32>
    %shift_left3A_20 = arith.constant 16 : i32
    %shift_left3A_21 = vector.broadcast %shift_left3A_20 : i32 to vector<512x64xi32>
    %shift_left3A_22 = arith.shli %bitcast_convert_type3A_15, %shift_left3A_21 : vector<512x64xi32>
    %bitcast_convert_type3A_23 = tpu.bitcast %shift_left3A_22 : vector<512x64xi32> -> vector<512x64xf32>
    %lt3A = arith.constant 1.500000e+00 : f32
    %lt3A_24 = vector.broadcast %lt3A : f32 to vector<512x1xf32>
    %lt3A_25 = arith.cmpf olt, %transpose3A, %lt3A_24 : vector<512x1xf32>
    %lt3A_26 = arith.constant 5.000000e-01 : f32
    %lt3A_27 = vector.broadcast %lt3A_26 : f32 to vector<512x1xf32>
    %lt3A_28 = arith.cmpf olt, %transpose3A, %lt3A_27 : vector<512x1xf32>
    %broadcast_in_dim3A = vector.shape_cast %lt3A_28 : vector<512x1xi1> to vector<512x1xi1>
    %broadcast_in_dim3A_29 = vector.broadcast %broadcast_in_dim3A : vector<512x1xi1> to vector<512x64xi1>
    %select_n3A = arith.select %broadcast_in_dim3A_29, %bitcast_convert_type3A_10, %bitcast_convert_type3A_13 : vector<512x64xi1>, vector<512x64xf32>
    %lt3A_30 = arith.constant 2.500000e+00 : f32
    %lt3A_31 = vector.broadcast %lt3A_30 : f32 to vector<512x1xf32>
    %lt3A_32 = arith.cmpf olt, %transpose3A, %lt3A_31 : vector<512x1xf32>
    %broadcast_in_dim3A_33 = vector.shape_cast %lt3A_32 : vector<512x1xi1> to vector<512x1xi1>
    %broadcast_in_dim3A_34 = vector.broadcast %broadcast_in_dim3A_33 : vector<512x1xi1> to vector<512x64xi1>
    %select_n3A_35 = arith.select %broadcast_in_dim3A_34, %bitcast_convert_type3A_19, %bitcast_convert_type3A_23 : vector<512x64xi1>, vector<512x64xf32>
    %broadcast_in_dim3A_36 = vector.shape_cast %lt3A_25 : vector<512x1xi1> to vector<512x1xi1>
    %broadcast_in_dim3A_37 = vector.broadcast %broadcast_in_dim3A_36 : vector<512x1xi1> to vector<512x64xi1>
    %select_n3A_38 = arith.select %broadcast_in_dim3A_37, %select_n3A, %select_n3A_35 : vector<512x64xi1>, vector<512x64xf32>
    %dot_general3A = arith.constant dense<0.000000e+00> : vector<512x4096xf32>
    %dot_general3A_39 = tpu.matmul %select_n3A_38, %get3A_1, %dot_general3A {dimension_numbers = #tpu.dot_dimension_numbers<[1], [0], [0], [1], [0, 0, 1, 1], [], []>, transpose_lhs_hint = false} : vector<512x64xf32>, vector<64x4096xf32>, vector<512x4096xf32> -> vector<512x4096xf32>
    %get3A_40 = arith.constant 0 : index
    %get3A_41 = arith.constant 0 : index
    %get3A_42 = vector.load %arg6[%get3A_40, %get3A_41] : memref<1x512xf32, #tpu.memory_space<vmem>>, vector<1x512xf32>
    %transpose3A_43 = tpu.transpose %get3A_42, [1, 0] : vector<1x512xf32> -> vector<512x1xf32>
    %add3A = vector.broadcast %transpose3A_43 : vector<512x1xf32> to vector<512x4096xf32>
    %add3A_44 = arith.addf %dot_general3A_39, %add3A : vector<512x4096xf32>
    %max3A = arith.constant 0.000000e+00 : f32
    %max3A_45 = vector.broadcast %max3A : f32 to vector<512x4096xf32>
    %max3A_46 = arith.maximumf %add3A_44, %max3A_45 : vector<512x4096xf32>
    %abs3A = math.absf %add3A_44 : vector<512x4096xf32>
    %mul3A = arith.constant -1.44269502 : f32
    %mul3A_47 = vector.broadcast %mul3A : f32 to vector<512x4096xf32>
    %mul3A_48 = arith.mulf %abs3A, %mul3A_47 : vector<512x4096xf32>
    %exp23A = math.exp2 %mul3A_48 : vector<512x4096xf32>
    %add3A_49 = arith.constant 1.000000e+00 : f32
    %add3A_50 = vector.broadcast %add3A_49 : f32 to vector<512x4096xf32>
    %add3A_51 = arith.addf %add3A_50, %exp23A : vector<512x4096xf32>
    %log3A = math.log %add3A_51 : vector<512x4096xf32>
    %log3A_52 = arith.constant 2.000000e+00 : f32
    %log3A_53 = math.log %log3A_52 : f32
    %div3A = vector.broadcast %log3A_53 : f32 to vector<512x4096xf32>
    %div3A_54 = arith.divf %log3A, %div3A : vector<512x4096xf32>
    %mul3A_55 = arith.constant 0.693147182 : f32
    %mul3A_56 = vector.broadcast %mul3A_55 : f32 to vector<512x4096xf32>
    %mul3A_57 = arith.mulf %mul3A_56, %div3A_54 : vector<512x4096xf32>
    %add3A_58 = arith.addf %max3A_46, %mul3A_57 : vector<512x4096xf32>
    %swap3A = arith.constant 0 : index
    %swap3A_59 = arith.constant 0 : index
    %swap3A_60 = vector.load %arg8[%swap3A, %swap3A_59] : memref<512x4096xf32, #tpu.memory_space<vmem>>, vector<512x4096xf32>
    tpu.vector_store %arg8[%swap3A, %swap3A_59], %add3A_58 {strides = array<i32>} : memref<512x4096xf32, #tpu.memory_space<vmem>>, vector<512x4096xf32>,
    %eq3A = arith.constant 0 : i32
    %eq3A_61 = arith.cmpi eq, %arg0, %eq3A : i32
    %convert_element_type3A = arith.extui %eq3A_61 : i1 to i32
    %cond3A = arith.constant 0 : i32
    %cond3A_62 = arith.cmpi ne, %convert_element_type3A, %cond3A : i32
    scf.if %cond3A_62 {
      %get3A_63 = arith.constant 0 : index
      %get3A_64 = arith.constant 0 : index
      %get3A_65 = vector.load %arg3[%get3A_63, %get3A_64] : memref<128x4096xf32, #tpu.memory_space<vmem>>, vector<128x4096xf32>
      %get3A_66 = arith.constant 0 : index
      %get3A_67 = arith.constant 0 : index
      %get3A_68 = vector.load %arg5[%get3A_66, %get3A_67] : memref<1x4096xf32, #tpu.memory_space<vmem>>, vector<1x4096xf32>
      %slice3A_69 = vector.extract_strided_slice %get3A_65 {offsets = [0, 0], sizes = [64, 4096], strides = [1, 1]} : vector<128x4096xf32> to vector<64x4096xf32>
      %bitcast_convert_type3A_70 = tpu.bitcast %slice3A_69 : vector<64x4096xf32> -> vector<64x4096xi32>
      %and3A_71 = arith.constant -65536 : i32
      %and3A_72 = vector.broadcast %and3A_71 : i32 to vector<64x4096xi32>
      %and3A_73 = arith.andi %bitcast_convert_type3A_70, %and3A_72 : vector<64x4096xi32>
      %bitcast_convert_type3A_74 = tpu.bitcast %and3A_73 : vector<64x4096xi32> -> vector<64x4096xf32>
      %shift_left3A_75 = arith.constant 16 : i32
      %shift_left3A_76 = vector.broadcast %shift_left3A_75 : i32 to vector<64x4096xi32>
      %shift_left3A_77 = arith.shli %bitcast_convert_type3A_70, %shift_left3A_76 : vector<64x4096xi32>
      %bitcast_convert_type3A_78 = tpu.bitcast %shift_left3A_77 : vector<64x4096xi32> -> vector<64x4096xf32>
      %slice3A_79 = vector.extract_strided_slice %get3A_65 {offsets = [64, 0], sizes = [64, 4096], strides = [1, 1]} : vector<128x4096xf32> to vector<64x4096xf32>
      %bitcast_convert_type3A_80 = tpu.bitcast %slice3A_79 : vector<64x4096xf32> -> vector<64x4096xi32>
      %and3A_81 = arith.constant -65536 : i32
      %and3A_82 = vector.broadcast %and3A_81 : i32 to vector<64x4096xi32>
      %and3A_83 = arith.andi %bitcast_convert_type3A_80, %and3A_82 : vector<64x4096xi32>
      %bitcast_convert_type3A_84 = tpu.bitcast %and3A_83 : vector<64x4096xi32> -> vector<64x4096xf32>
      %shift_left3A_85 = arith.constant 16 : i32
      %shift_left3A_86 = vector.broadcast %shift_left3A_85 : i32 to vector<64x4096xi32>
      %shift_left3A_87 = arith.shli %bitcast_convert_type3A_80, %shift_left3A_86 : vector<64x4096xi32>
      %bitcast_convert_type3A_88 = tpu.bitcast %shift_left3A_87 : vector<64x4096xi32> -> vector<64x4096xf32>
      %lt3A_89 = arith.constant 1.500000e+00 : f32
      %lt3A_90 = vector.broadcast %lt3A_89 : f32 to vector<1x4096xf32>
      %lt3A_91 = arith.cmpf olt, %get3A_68, %lt3A_90 : vector<1x4096xf32>
      %lt3A_92 = arith.constant 5.000000e-01 : f32
      %lt3A_93 = vector.broadcast %lt3A_92 : f32 to vector<1x4096xf32>
      %lt3A_94 = arith.cmpf olt, %get3A_68, %lt3A_93 : vector<1x4096xf32>
      %broadcast_in_dim3A_95 = vector.shape_cast %lt3A_94 : vector<1x4096xi1> to vector<1x4096xi1>
      %broadcast_in_dim3A_96 = vector.broadcast %broadcast_in_dim3A_95 : vector<1x4096xi1> to vector<64x4096xi1>
      %select_n3A_97 = arith.select %broadcast_in_dim3A_96, %bitcast_convert_type3A_74, %bitcast_convert_type3A_78 : vector<64x4096xi1>, vector<64x4096xf32>
      %lt3A_98 = arith.constant 2.500000e+00 : f32
      %lt3A_99 = vector.broadcast %lt3A_98 : f32 to vector<1x4096xf32>
      %lt3A_100 = arith.cmpf olt, %get3A_68, %lt3A_99 : vector<1x4096xf32>
      %broadcast_in_dim3A_101 = vector.shape_cast %lt3A_100 : vector<1x4096xi1> to vector<1x4096xi1>
      %broadcast_in_dim3A_102 = vector.broadcast %broadcast_in_dim3A_101 : vector<1x4096xi1> to vector<64x4096xi1>
      %select_n3A_103 = arith.select %broadcast_in_dim3A_102, %bitcast_convert_type3A_84, %bitcast_convert_type3A_88 : vector<64x4096xi1>, vector<64x4096xf32>
      %broadcast_in_dim3A_104 = vector.shape_cast %lt3A_91 : vector<1x4096xi1> to vector<1x4096xi1>
      %broadcast_in_dim3A_105 = vector.broadcast %broadcast_in_dim3A_104 : vector<1x4096xi1> to vector<64x4096xi1>
      %select_n3A_106 = arith.select %broadcast_in_dim3A_105, %select_n3A_97, %select_n3A_103 : vector<64x4096xi1>, vector<64x4096xf32>
      %mul3A_107 = arith.mulf %get3A_1, %select_n3A_106 : vector<64x4096xf32>
      %reduce_sum3A = arith.constant dense<0.000000e+00> : vector<4096xf32>
      %reduce_sum3A_108 = vector.multi_reduction <add>, %mul3A_107, %reduce_sum3A [0] : vector<64x4096xf32> to vector<4096xf32>
      %broadcast_in_dim3A_109 = vector.shape_cast %reduce_sum3A_108 : vector<4096xf32> to vector<1x4096xf32>
      %get3A_110 = arith.constant 0 : index
      %get3A_111 = arith.constant 0 : index
      %get3A_112 = vector.load %arg4[%get3A_110, %get3A_111] : memref<1x4096xf32, #tpu.memory_space<vmem>>, vector<1x4096xf32>
      %add3A_113 = arith.addf %broadcast_in_dim3A_109, %get3A_112 : vector<1x4096xf32>
      %max3A_114 = arith.constant 0.000000e+00 : f32
      %max3A_115 = vector.broadcast %max3A_114 : f32 to vector<1x4096xf32>
      %max3A_116 = arith.maximumf %add3A_113, %max3A_115 : vector<1x4096xf32>
      %sub3A = arith.subf %max3A_116, %add3A_113 : vector<1x4096xf32>
      %abs3A_117 = math.absf %add3A_113 : vector<1x4096xf32>
      %mul3A_118 = arith.constant -1.44269502 : f32
      %mul3A_119 = vector.broadcast %mul3A_118 : f32 to vector<1x4096xf32>
      %mul3A_120 = arith.mulf %abs3A_117, %mul3A_119 : vector<1x4096xf32>
      %exp23A_121 = math.exp2 %mul3A_120 : vector<1x4096xf32>
      %add3A_122 = arith.constant 1.000000e+00 : f32
      %add3A_123 = vector.broadcast %add3A_122 : f32 to vector<1x4096xf32>
      %add3A_124 = arith.addf %add3A_123, %exp23A_121 : vector<1x4096xf32>
      %log3A_125 = math.log %add3A_124 : vector<1x4096xf32>
      %log3A_126 = arith.constant 2.000000e+00 : f32
      %log3A_127 = math.log %log3A_126 : f32
      %div3A_128 = vector.broadcast %log3A_127 : f32 to vector<1x4096xf32>
      %div3A_129 = arith.divf %log3A_125, %div3A_128 : vector<1x4096xf32>
      %mul3A_130 = arith.constant 0.693147182 : f32
      %mul3A_131 = vector.broadcast %mul3A_130 : f32 to vector<1x4096xf32>
      %mul3A_132 = arith.mulf %mul3A_131, %div3A_129 : vector<1x4096xf32>
      %add3A_133 = arith.addf %sub3A, %mul3A_132 : vector<1x4096xf32>
      %swap3A_134 = arith.constant 0 : index
      %swap3A_135 = arith.constant 0 : index
      %swap3A_136 = vector.load %arg8[%swap3A_134, %swap3A_135] : memref<512x4096xf32, #tpu.memory_space<vmem>>, vector<1x4096xf32>
      tpu.vector_store %arg8[%swap3A_134, %swap3A_135], %add3A_133 {strides = array<i32>} : memref<512x4096xf32, #tpu.memory_space<vmem>>, vector<1x4096xf32>,
    } else {
    }
    return
  }
  func.func @transform_0(%arg0: i32) -> (i32, i32) {
    %c0_i32 = arith.constant 0 : i32
    %c0_i32_0 = arith.constant 0 : i32
    return %arg0, %c0_i32 : i32, i32
  }
  func.func @transform_1(%arg0: i32) -> (i32, i32) {
    %c0_i32 = arith.constant 0 : i32
    %c0_i32_0 = arith.constant 0 : i32
    %c0_i32_1 = arith.constant 0 : i32
    return %c0_i32, %c0_i32_0 : i32, i32
  }
  func.func @transform_2(%arg0: i32) -> (i32, i32) {
    %c0_i32 = arith.constant 0 : i32
    %c0_i32_0 = arith.constant 0 : i32
    %c0_i32_1 = arith.constant 0 : i32
    return %c0_i32, %c0_i32_0 : i32, i32
  }
  func.func @transform_3(%arg0: i32) -> (i32, i32) {
    %c0_i32 = arith.constant 0 : i32
    %c0_i32_0 = arith.constant 0 : i32
    %c0_i32_1 = arith.constant 0 : i32
    return %c0_i32, %c0_i32_0 : i32, i32
  }
  func.func @transform_4(%arg0: i32) -> (i32, i32) {
    %c0_i32 = arith.constant 0 : i32
    %c0_i32_0 = arith.constant 0 : i32
    %c0_i32_1 = arith.constant 0 : i32
    return %c0_i32, %c0_i32_0 : i32, i32
  }
  func.func @transform_5(%arg0: i32) -> (i32, i32) {
    %c0_i32 = arith.constant 0 : i32
    %c0_i32_0 = arith.constant 0 : i32
    return %c0_i32, %arg0 : i32, i32
  }
  func.func @transform_6(%arg0: i32) -> (i32, i32) {
    %c0_i32 = arith.constant 0 : i32
    %c0_i32_0 = arith.constant 0 : i32
    return %c0_i32, %arg0 : i32, i32
  }
  func.func @transform_7(%arg0: i32) -> (i32, i32) {
    %c0_i32 = arith.constant 0 : i32
    %c0_i32_0 = arith.constant 0 : i32
    return %arg0, %c0_i32 : i32, i32
  }
}

</mosaic_0001>

<sc_bundles>
// kernel: kernel.6.cloned.1.call-start
scs
__scs_entry_jumppad:
0x0: {  	(pc) =	sbr.rel $0x88, $3  }
0x1: {  	(tag) =	ssettag $0x0;
	lr =	simm.s32 $0x1  }
0x2: {  	[smem:$0x3F9B] =	sst lr;
	_ =	strace $0xD0000000  }
0x3: {  	_ = 	snop  }
0x4: {  	_ = 	snop  }
0x5: {  	_ = 	snop  }
0x6: {  	_ = 	snop  }
0x7: {  	_ = 	snop  }
__scs_overlays_trampoline_lowered:
0x8: {  	[smem:$0x3FAA] =	sst s0  }
0x9: {  	[smem:$0x3FAB] =	sst s1  }
0xa: {  	[smem:$0x3FAC] =	sst s2  }
0xb: {  	[smem:$0x3FAD] =	sst s3  }
0xc: {  	[smem:$0x3FAE] =	sst s4  }
0xd: {  	[smem:$0x3FAF] =	sst s5  }
0xe: {  	[smem:$0x3FB0] =	sst s6  }
0xf: {  	[smem:$0x3FB1] =	sst s7  }
0x10: {  	[smem:$0x3FB2] =	sst s8  }
0x11: {  	[smem:$0x3FB3] =	sst s9;
	s0 =	simm.s32 @!p0 $0x0  }
0x12: {  	s1 =	sld [smem:$0x3F99];
	s0 =	simm.s32 @p0 $0x1  }
0x13: {  	[smem:$0x3FB4] =	sst s0;
	s0 =	simm.s32 @!p1 $0x0  }
0x14: {  	s2 =	sld [smem:$0x3F98];
	s0 =	simm.s32 @p1 $0x1  }
0x15: {  	[smem:$0x3FB5] =	sst s0;
	s0 =	simm.s32 @!p2 $0x0  }
0x16: {  	s3 =	sld [smem:$0x3FDB];
	s0 =	simm.s32 @p2 $0x1  }
0x17: {  	s4 =	simm.s32 $0x1BF5;
	[smem:$0x3FB7] =	sst s0  }
0x18: {  	s0 =	sld [smem:$0x3F9A];
	_ =	swait.ge [sflag:s4], $0x0  }
0x19: {  	s7 =	sld [smem:$0x3F9B]  }
0x1a: {  	s8 =	sadd.s32 $0xFFFFE003, lr  }
0x1b: {  	s9 =	sadd.s32 $0xFFFFFEF7, lr;
	s5 =	simm.s32 $0xFFFFFFFF;
	p2 =	slt.u32 s8, $0xFFFFF086  }
0x1c: {  	p1 =	slt.u32 s9, $0xF7A;
	s5 =	simm.s32 @!p2 $0x0  }
0x1d: {  	s5 =	simm.s32 @p1 $0x1;
	p0 =	seq.s32 s7, s2  }
0x1e: {  	s7 =	smul.u32 @!p0 $0xF7A, s2;
	p2 =	seq.s32 @!p0 s5, $0x0  }
0x1f: {  	s9 =	smul.u32 $0xF7A, s1;
	s8 =	simm.s32 @!p0 $0x1BF5;
	p2 =	por !p2, p0  }
0x20: {  	[sflag:s8] =	ssyncset.s32 @!p0 $0xFFFFF086;
	s6 =	sadd.s32 @!p0 s3, s7;
	s7 =	simm.s32 @!p0 $0x108  }
0x21: {  	s3 =	sadd.s32 s3, s9;
	s6 =	sadd.s32 @!p0 $0x88, s6;
	s7 =	simm.s32 @p2 $0x1082  }
0x22: {  	[simem:s7], [sflag:s8] =	dma.local @!p0 [hbm:s6], $0xF7A  }
0x23: {  	s9 =	sor.u32 $0xD0000000, s2;
	s6 =	simm.s32 $0x108;
	_ =	swait.ge @!p0 [sflag:s8], $0x0  }
0x24: {  	s3 =	sadd.s32 $0x88, s3;
	s6 =	simm.s32 @!p1 $0x1082;
	[sflag:s4] =	ssyncset.s32 $0xFFFFF086  }
0x25: {  	[simem:s6], [sflag:s4] =	dma.local [hbm:s3], $0xF7A  }
0x26: {  	[smem:$0x3F9B] =	sst s1;
	(tag) =	ssettag s2;
	_ =	strace s9  }
0x27: {  	s1 =	sld [smem:$0x3FAB]  }
0x28: {  	s2 =	sld [smem:$0x3FAC]  }
0x29: {  	s4 =	sld [smem:$0x3FAE]  }
0x2a: {  	p0 =	seq.s32 s5, $0x0;
	s5 =	sld [smem:$0x3FAF]  }
0x2b: {  	s6 =	sld [smem:$0x3FB0]  }
0x2c: {  	s7 =	sld [smem:$0x3FB1]  }
0x2d: {  	s3 =	simm.s32 $0x108;
	s8 =	sld [smem:$0x3FB2]  }
0x2e: {  	s3 =	simm.s32 @!p0 $0x1082;
	s9 =	sld [smem:$0x3FB3]  }
0x2f: {  	lr =	sadd.s32 s0, s3;
	s0 =	sld [smem:$0x3FAA]  }
0x30: {  	s3 =	sld [smem:$0x3FAD]  }
0x31: {  	[smem:$0x3FB6] =	sst s10  }
0x32: {  	s10 =	sld [smem:$0x3FB4];
	_ =	sdelay $0x3  }
0x33: {  	p0 =	seq.s32 s10, $0x1;
	s10 =	sld [smem:$0x3FB6];
	_ =	sdelay $0x3  }
0x34: {  	[smem:$0x3FB6] =	sst s10  }
0x35: {  	s10 =	sld [smem:$0x3FB5];
	_ =	sdelay $0x3  }
0x36: {  	p1 =	seq.s32 s10, $0x1;
	s10 =	sld [smem:$0x3FB6];
	_ =	sdelay $0x3  }
0x37: {  	[smem:$0x3FB6] =	sst s10  }
0x38: {  	s10 =	sld [smem:$0x3FB7]  }
0x39: {  	_ = 	snop;
	(pc) =	sbr.ind lr, $3  }
0x3a: {  	_ = 	snop  }
0x3b: {  	_ = 	snop  }
0x3c: {  	p2 =	seq.s32 s10, $0x1;
	s10 =	sld [smem:$0x3FB6]  }
0x3d: {  	_ =	shalt  }
0x3e: {  	_ =	shalt  }
0x3f: {  	_ =	shalt  }
0x40: {  	_ =	shalt  }
0x41: {  	_ =	shalt  }
0x42: {  	_ =	shalt  }
0x43: {  	_ =	shalt  }
0x44: {  	_ =	shalt  }
0x45: {  	_ =	shalt  }
0x46: {  	_ =	shalt  }
0x47: {  	_ =	shalt  }
0x48: {  	_ =	shalt  }
0x49: {  	_ =	shalt  }
0x4a: {  	_ =	shalt  }
0x4b: {  	_ =	shalt  }
0x4c: {  	_ =	shalt  }
0x4d: {  	_ =	shalt  }
0x4e: {  	_ =	shalt  }
0x4f: {  	_ =	shalt  }
0x50: {  	_ =	shalt  }
0x51: {  	_ =	shalt  }
0x52: {  	_ =	shalt  }
0x53: {  	_ =	shalt  }
0x54: {  	_ =	shalt  }
0x55: {  	_ =	shalt  }
0x56: {  	_ =	shalt  }
0x57: {  	_ =	shalt  }
0x58: {  	_ =	shalt  }
0x59: {  	_ =	shalt  }
0x5a: {  	_ =	shalt  }
0x5b: {  	_ =	shalt  }
0x5c: {  	_ =	shalt  }
0x5d: {  	_ =	shalt  }
0x5e: {  	_ =	shalt  }
0x5f: {  	_ =	shalt  }
0x60: {  	_ =	shalt  }
0x61: {  	_ =	shalt  }
0x62: {  	_ =	shalt  }
0x63: {  	_ =	shalt  }
0x64: {  	_ =	shalt  }
0x65: {  	_ =	shalt  }
0x66: {  	_ =	shalt  }
0x67: {  	_ =	shalt  }
0x68: {  	_ =	shalt  }
0x69: {  	_ =	shalt  }
0x6a: {  	_ =	shalt  }
0x6b: {  	_ =	shalt  }
0x6c: {  	_ =	shalt  }
0x6d: {  	_ =	shalt  }
0x6e: {  	_ =	shalt  }
0x6f: {  	_ =	shalt  }
0x70: {  	_ =	shalt  }
0x71: {  	_ =	shalt  }
0x72: {  	_ =	shalt  }
0x73: {  	_ =	shalt  }
0x74: {  	_ =	shalt  }
0x75: {  	_ =	shalt  }
0x76: {  	_ =	shalt  }
0x77: {  	_ =	shalt  }
0x78: {  	_ =	shalt  }
0x79: {  	_ =	shalt  }
0x7a: {  	_ =	shalt  }
0x7b: {  	_ =	shalt  }
0x7c: {  	_ =	shalt  }
0x7d: {  	_ =	shalt  }
0x7e: {  	_ =	shalt  }
0x7f: {  	_ =	shalt  }
0x80: {  	_ =	shalt  }
0x81: {  	_ =	shalt  }
0x82: {  	_ =	shalt  }
0x83: {  	_ =	shalt  }
0x84: {  	_ =	shalt  }
0x85: {  	_ =	shalt  }
0x86: {  	_ =	shalt  }
0x87: {  	_ =	shalt  }
.Lfunc_end0:
.L_simem_size_0:
called_computation_lowered:
.L_overlay_start_0:
0x88: {  	s2 =	sld [smem:$0x3FD9]  }
0x89: {  	s3 =	sld [smem:$0x3FFE];
	_ =	sdelay $0x1  }
0x8a: {  	s1 =	srdreg.scid  }
0x8b: {  	s0 =	sand.u32 $0x1, s1  }
0x8c: {  	s17 =	sshll.u32 s0, $0xA;
	s2 =	sadd.s32 s3, s2  }
0x8d: {  	s2 =	sadd.s32 s2, s17  }
0x8e: {  	[smem:$0x3FC2] =	sst s2  }
0x8f: {  	_ = 	snop  }
0x90: {  	s18 =	sld [smem:$0x3FC8]  }
0x91: {  	s4 =	sld [smem:$0x3FC7]  }
0x92: {  	s5 =	sld [smem:$0x3FC5]  }
0x93: {  	s6 =	sld [smem:$0x3FC4];
	(tm) =	ssettm $0x1  }
0x94: {  	s19 =	sld [smem:$0x3FFB];
	_ =	sdelay $0x3  }
0x95: {  	_ =	strace s19  }
0x96: {  	s2 =	sld [smem:$0x3FFC];
	_ =	sdelay $0x3  }
0x97: {  	_ =	strace s2  }
0x98: {  	s2 =	sld [smem:$0x3FFD];
	_ =	sdelay $0x3  }
0x99: {  	_ =	strace s2  }
0x9a: {  	_ =	strace $0x8FFFFFFF  }
0x9b: {  	s20 =	sld [smem:$0x3FDB];
	_ =	sdelay $0x1  }
0x9c: {  	s7 =	simm.s32 $_scs_section_size  }
0x9d: {  	s8 =	simm.s32 $_size__tile_overlayer_lowered;
	s9 =	simm.s32 $_tile_overlayer_lowered  }
0x9e: {  	s10 =	simm.s32 $0x1BFF;
	s21 =	sshll.u32 s9, $0x1;
	s7 =	sadd.s32 s7, s20  }
0x9f: {  	s22 =	simm.s32 $0x0;
	s8 =	sshll.u32 s8, $0x1;
	s9 =	sadd.s32 s21, s7  }
0xa0: {  	[timem:s22], [sflag:s10] =	dma.local [hbm:s9], s8  }
0xa1: {  	_ =	swait.ge [sflag:s10], s8  }
0xa2: {  	s8 =	ssub.s32 $0x0, s8;
	[sflag:s10] =	ssyncset.done $0x0  }
0xa3: {  	[sflag:s10] =	ssyncadd.s32 s8;
	_ =	sdelay $0x1  }
0xa4: {  	s23 =	simm.s32 $0x1B8B  }
0xa5: {  	_ =	swait.ge [sflag:s23], $0x1  }
0xa6: {  	[sflag:s23] =	ssyncset.done $0x0  }
0xa7: {  	[sflag:s23] =	ssyncadd.s32 $0xFFFFFFFF  }
0xa8: {  	s8 =	sld [smem:$0x0]  }
0xa9: {  	s9 =	sand.u32 $0xFFFFFFFE, s1  }
0xaa: {  	p0 =	sne.s32 s1, s9  }
0xab: {  	s9 =	sshll.u32 @p0 s9, $0xE  }
0xac: {  	s9 =	sadd.s32 @p0 $0x11B8D, s9;
	s10 =	sshll.u32 @p0 s8, $0x11  }
0xad: {  	s9 =	sor.u32 @p0 s10, s9  }
0xae: {  	[sflag:s9] =	ssyncadd.remote.s32 @p0 $0x1;
	_ =	sdelay $0x1  }
0xaf: {  	s9 =	simm.s32 @p0 $0x1B8D  }
0xb0: {  	_ =	swait.eq @p0 [sflag:s9], $0x1  }
0xb1: {  	[sflag:s9] =	ssyncadd.s32 @p0 $0xFFFFFFFF  }
0xb2: {  	s10 =	sshll.u32 @!p0 s1, $0xE  }
0xb3: {  	s10 =	sor.u32 @!p0 $0x4000, s10;
	s9 =	simm.s32 @!p0 $0x1B8D  }
0xb4: {  	s8 =	sshll.u32 @!p0 s8, $0x11;
	s10 =	sadd.s32 @!p0 $0x11B8D, s10;
	_ =	swait.eq @!p0 [sflag:s9], $0x1  }
0xb5: {  	s8 =	sor.u32 @!p0 s8, s10;
	[sflag:s9] =	ssyncadd.s32 @!p0 $0xFFFFFFFF  }
0xb6: {  	s25 =	simm.s32 $0x1B8E;
	s24 =	sld [smem:$0x3FFE];
	[sflag:s8] =	ssyncadd.remote.s32 @!p0 $0x1  }
0xb7: {  	s26 =	simm.s32 $execute0_lowered;
	[smem:$0x3FD2] =	sst s25  }
0xb8: {  	s9 =	sshll.u32 s26, $0x1;
	_ =	strace $0x80000049;
	[dreg:$0x1] =	wrdreg $0xFFFFFFFF  }
0xb9: {  	s28 =	simm.s32 $_size_execute0_lowered;
	s7 =	sadd.s32 s7, s9;
	[dreg:$0x0] =	wrdreg $0x0  }
0xba: {  	s9 =	sshll.u32 s28, $0x1;
	[dreg:$0x2] =	wrdreg s7  }
0xbb: {  	[dreg:$0x3] =	wrdreg s9  }
0xbc: {  	[dreg:$0x4] =	wrdreg $0xC0  }
0xbd: {  	_ =	task [dreg:s22], $0x5FFFF  }
0xbe: {  	[dreg:$0x1] =	wrdreg $0xFFFFFFFF  }
0xbf: {  	[dreg:$0x0] =	wrdreg $0x60  }
0xc0: {  	[dreg:$0x2] =	wrdreg s5  }
0xc1: {  	[dreg:$0x3] =	wrdreg s6  }
0xc2: {  	[dreg:$0x4] =	wrdreg s18  }
0xc3: {  	[dreg:$0x5] =	wrdreg s4  }
0xc4: {  	[dreg:$0x6] =	wrdreg s24  }
0xc5: {  	[dreg:$0x7] =	wrdreg $0x9  }
0xc6: {  	_ =	task.clear_ibuf [dreg:s22], $0x8FFFF;
	_ =	strace $0x90000049  }
0xc7: {  	s29 =	simm.s32 $0x9;
	_ =	strace $0x8000004B  }
0xc8: {  	_ =	swait.ge [sflag:s29], $0x1  }
0xc9: {  	[sflag:s29] =	ssyncadd.s32 $0xFFFFFFFF  }
0xca: {  	_ =	strace $0x9000004B  }
0xcb: {  	_ =	sfence  }
0xcc: {  	s30 =	sld [smem:$0x0];
	_ =	sdelay $0x2  }
0xcd: {  	s31 =	sshll.u32 s1, $0xD;
	s1 =	sshrl.u32 s1, $0x2  }
0xce: {  	s4 =	sand.u32 $0x4000, s31;
	s1 =	sadd.s32 s1, s30  }
0xcf: {  	s0 =	sor.u32 s4, s0;
	s1 =	sshll.u32 s1, $0x11  }
0xd0: {  	s0 =	sor.u32 s1, s0  }
0xd1: {  	s0 =	sadd.s32 $0x8F2B, s0  }
0xd2: {  	[sflag:s0] =	ssyncadd.remote.s32 $0x1  }
0xd3: {  	_ =	sfence.sel $0xFFFF  }
0xd4: {  	[dreg:$0x0] =	wrdreg $0xFFFFFFFF;
	(pc) =	sbr.abs _section_cstart, $3  }
0xd5: {  	[dreg:$0x1] =	wrdreg $0xFFFFFFFF  }
0xd6: {  	_ =	task.clear_ibuf [dreg:s22], $0x2FFFF;
	_ =	strace $0x9FFFFFFF  }
0xd7: {  	(tm) =	ssettm $0x7FFFFFFF  }
tec
execute0_lowered:
.L_overlay_start_1:
0x0: {  	(tag) =	ssettag $0x1  }
0x1: {  	s1 =	rddreg [dreg:$0x0]  }
0x2: {  	s2 =	rddreg [dreg:$0x1]  }
0x3: {  	s5 =	rddreg [dreg:$0x2]  }
0x4: {  	s11 =	rddreg [dreg:$0x3]  }
0x5: {  	s6 =	rddreg [dreg:$0x4]  }
0x6: {  	s0 =	rddreg [dreg:$0x5]  }
0x7: {  	s4 =	simm.s32 $0x0;
	s7 =	srdreg.scid;
	s3 =	stileid.u32  }
0x8: {  	s16 =	simm.s32 $0x80;
	s17 =	simm.s32 $0x1;
	s18 =	simm.s32 $0x100  }
0x9: {  	s19 =	simm.s32 $0x180;
	s20 =	simm.s32 $0x200;
	[smem:$0x7FF] =	sst s4  }
0xa: {  	s7 =	sand.u32 $0x1, s7;
	s8 =	sshll.u32 s3, $0x1;
	s12 =	sadd.s32 $0x413C00, s6  }
0xb: {  	s14 =	sadd.s32 $0x414000, s6;
	s8 =	sor.u32 s7, s8;
	s7 =	ssub.s32 $0x2, s7  }
0xc: {  	_ =	strace $0x8000004A;
	s9 =	sshll.u32 s8, $0x4;
	s10 =	sshrl.u32 s7, $0x1  }
0xd: {  	s30 =	sshll.u32 s8, $0x5;
	s13 =	sadd.s32 s9, s6;
	s15 =	ssub.s32 s7, s10  }
0xe: {  	s5 =	sadd.s32 s5, s9;
	s8 =	sadd.s32 s11, s30;
	s31 =	sor.u32 $0x10, s30  }
0xf: {  	s9 =	sadd.s32 s12, s30;
	s10 =	sadd.s32 s14, s30;
	s6 =	sadd.s32 $0x414400, s13  }
0x10: {  	s7 =	sadd.s32 $0x414600, s13;
	s11 =	sadd.s32 s11, s31;
	s12 =	sadd.s32 s12, s31  }
0x11: {  	s13 =	sadd.s32 s14, s31;
	s14 =	smax.u32 s15, $0x1;
	s15 =	simm.s32 $0x2  }
.LBB2_1:
0x12: {  	[tilespmem:s4], [sflag:$0x2] =	stream.linear.gather [hbm4b:s5+s4], $0x80, $0x38;
	[tilespmem:$0x280] =	vst v63  }
0x13: {  	_ =	swait.ge [sflag:s15], $0x80  }
0x14: {  	[sflag:s15] =	ssyncset.done $0x0  }
0x15: {  	[sflag:s15] =	ssyncadd.s32 $0xFFFFFF80  }
0x16: {  	[tilespmem:s16], [sflag:$0x1] =	stream.indirect.gather [hbm4b:s1+s16], $0x1, s4, s16, $0xb8;
	[tilespmem:$0x280] =	vst v63  }
0x17: {  	_ =	swait.ge [sflag:s17], $0x80  }
0x18: {  	[sflag:s17] =	ssyncset.done $0x0  }
0x19: {  	[sflag:s17] =	ssyncadd.s32 $0xFFFFFF80  }
0x1a: {  	[tilespmem:s18], [sflag:$0x1] =	stream.indirect.gather [hbm4b:s2+s16], $0x1, s4, s16, $0xb8;
	[tilespmem:$0x280] =	vst v63  }
0x1b: {  	_ =	swait.ge [sflag:s17], $0x80  }
0x1c: {  	[sflag:s17] =	ssyncset.done $0x0  }
0x1d: {  	[sflag:s17] =	ssyncadd.s32 $0xFFFFFF80  }
0x1e: {  	v0 =	vld [tilespmem:$0x0]  }
0x1f: {  	v1 =	vld [tilespmem:$0x80]  }
0x20: {  	v2 =	vld [tilespmem:$0x100]  }
0x21: {  	v3 =	vld [tilespmem:$0x10]  }
0x22: {  	v4 =	vld [tilespmem:$0x90]  }
0x23: {  	v5 =	vld [tilespmem:$0x110]  }
0x24: {  	v6 =	vld [tilespmem:$0x20]  }
0x25: {  	v7 =	vld [tilespmem:$0xA0]  }
0x26: {  	v8 =	vld [tilespmem:$0x120]  }
0x27: {  	v9 =	vld [tilespmem:$0x30]  }
0x28: {  	v10 =	vld [tilespmem:$0xB0]  }
0x29: {  	v11 =	vld [tilespmem:$0x130]  }
0x2a: {  	v13 =	vld [tilespmem:$0xC0]  }
0x2b: {  	v20 =	vld [tilespmem:$0x140];
	v2 =	vadd.f32 $9.010912890e+00, v2  }
0x2c: {  	v24 =	vld [tilespmem:$0xD0];
	v0 =	vshrl.u32 v0, $0xD  }
0x2d: {  	v27 =	vld [tilespmem:$0x150];
	v19 =	vadd.f32 $9.010912890e+00, v5;
	v0 =	vand.u32 $0x3, v0;
	v1 =	vsub.f32 v1, v2  }
0x2e: {  	v33 =	vld [tilespmem:$0x160];
	v3 =	vshrl.u32 v3, $0xD;
	v0 =	vcvt.s32.f32 v0  }
0x2f: {  	v39 =	vld [tilespmem:$0x170];
	v23 =	vadd.f32 $9.010912890e+00, v8;
	v22 =	vand.u32 $0x3, v3;
	v21 =	vsub.f32 v4, v19;
	[tilespmem:$0x180] =	vst v1  }
0x30: {  	v36 =	vld [tilespmem:$0xE0];
	v29 =	vadd.f32 $9.010912890e+00, v11;
	v25 =	vcvt.s32.f32 v22;
	[tilespmem:$0x200] =	vst v0  }
0x31: {  	v45 =	vld [tilespmem:$0xF0];
	v35 =	vadd.f32 $9.010912890e+00, v20;
	v28 =	vsub.f32 v7, v23;
	[tilespmem:$0x190] =	vst v21  }
0x32: {  	v12 =	vld [tilespmem:$0x40];
	v41 =	vadd.f32 $9.010912890e+00, v27;
	v34 =	vsub.f32 v10, v29;
	[tilespmem:$0x210] =	vst v25  }
0x33: {  	v14 =	vld [tilespmem:$0x50];
	v47 =	vadd.f32 $9.010912890e+00, v33;
	v40 =	vsub.f32 v13, v35;
	[tilespmem:$0x1A0] =	vst v28  }
0x34: {  	v30 =	vld [tilespmem:$0x60];
	v51 =	vadd.f32 $9.010912890e+00, v39;
	v46 =	vsub.f32 v24, v41;
	[tilespmem:$0x1B0] =	vst v34  }
0x35: {  	v42 =	vld [tilespmem:$0x70];
	v26 =	vshrl.u32 v6, $0xD;
	v50 =	vsub.f32 v36, v47;
	[tilespmem:$0x1C0] =	vst v40  }
0x36: {  	v32 =	vshrl.u32 v9, $0xD;
	v2 =	vand.u32 $0x3, v26;
	v54 =	vsub.f32 v45, v51;
	[tilespmem:$0x1D0] =	vst v46  }
0x37: {  	v38 =	vshrl.u32 v12, $0xD;
	v31 =	vcvt.s32.f32 v2;
	v2 =	vand.u32 $0x3, v32;
	[tilespmem:$0x1E0] =	vst v50  }
0x38: {  	v44 =	vshrl.u32 v14, $0xD;
	v37 =	vcvt.s32.f32 v2;
	v2 =	vand.u32 $0x3, v38;
	[tilespmem:$0x1F0] =	vst v54  }
0x39: {  	v49 =	vshrl.u32 v30, $0xD;
	[tilespmem:$0x220] =	vst v31;
	v43 =	vcvt.s32.f32 v2;
	v2 =	vand.u32 $0x3, v44  }
0x3a: {  	v53 =	vshrl.u32 v42, $0xD;
	[tilespmem:$0x230] =	vst v37;
	v48 =	vcvt.s32.f32 v2;
	v2 =	vand.u32 $0x3, v49  }
0x3b: {  	[tilespmem:$0x240] =	vst v43;
	v52 =	vcvt.s32.f32 v2;
	v2 =	vand.u32 $0x3, v53  }
0x3c: {  	[tilespmem:$0x250] =	vst v48;
	v55 =	vcvt.s32.f32 v2  }
0x3d: {  	[tilespmem:$0x260] =	vst v52  }
0x3e: {  	[tilespmem:$0x270] =	vst v55  }
0x3f: {  	[hbm4b:s6+s4] =	stream.linear.scatter [tilespmem:s19], [sflag:$0x2], $0x80, $0x38;
	[tilespmem:$0x280] =	vst v63  }
0x40: {  	_ =	swait.ge [sflag:s15], $0x80  }
0x41: {  	[sflag:s15] =	ssyncset.done $0x0  }
0x42: {  	[sflag:s15] =	ssyncadd.s32 $0xFFFFFF80  }
0x43: {  	[hbm4b:s7+s4] =	stream.linear.scatter [tilespmem:s20], [sflag:$0x2], $0x80, $0x38;
	[tilespmem:$0x280] =	vst v63  }
0x44: {  	_ =	swait.ge [sflag:s15], $0x80  }
0x45: {  	[sflag:s15] =	ssyncset.done $0x0  }
0x46: {  	[sflag:s15] =	ssyncadd.s32 $0xFFFFFF80  }
0x47: {  	[tilespmem:s4], [sflag:$0x2] =	stream.linear.gather [hbm4b:s8+s4], $0x80, $0x38;
	[tilespmem:$0x280] =	vst v63  }
0x48: {  	_ =	swait.ge [sflag:s15], $0x80  }
0x49: {  	[sflag:s15] =	ssyncset.done $0x0  }
0x4a: {  	[sflag:s15] =	ssyncadd.s32 $0xFFFFFF80  }
0x4b: {  	[tilespmem:s16], [sflag:$0x1] =	stream.indirect.gather [hbm4b:s1+s16], $0x1, s4, s16, $0xb8;
	[tilespmem:$0x280] =	vst v63  }
0x4c: {  	_ =	swait.ge [sflag:s17], $0x80  }
0x4d: {  	[sflag:s17] =	ssyncset.done $0x0  }
0x4e: {  	[sflag:s17] =	ssyncadd.s32 $0xFFFFFF80  }
0x4f: {  	[tilespmem:s18], [sflag:$0x1] =	stream.indirect.gather [hbm4b:s2+s16], $0x1, s4, s16, $0xb8;
	[tilespmem:$0x280] =	vst v63  }
0x50: {  	_ =	swait.ge [sflag:s17], $0x80  }
0x51: {  	[sflag:s17] =	ssyncset.done $0x0  }
0x52: {  	[sflag:s17] =	ssyncadd.s32 $0xFFFFFF80  }
0x53: {  	v56 =	vld [tilespmem:$0x0]  }
0x54: {  	v57 =	vld [tilespmem:$0x80]  }
0x55: {  	v58 =	vld [tilespmem:$0x100]  }
0x56: {  	v59 =	vld [tilespmem:$0x10]  }
0x57: {  	v60 =	vld [tilespmem:$0x90]  }
0x58: {  	v61 =	vld [tilespmem:$0x110]  }
0x59: {  	v62 =	vld [tilespmem:$0x20]  }
0x5a: {  	v63 =	vld [tilespmem:$0xA0]  }
0x5b: {  	v16 =	vld [tilespmem:$0x120]  }
0x5c: {  	v17 =	vld [tilespmem:$0x30]  }
0x5d: {  	v18 =	vld [tilespmem:$0xB0]  }
0x5e: {  	v19 =	vld [tilespmem:$0x130]  }
0x5f: {  	v21 =	vld [tilespmem:$0xC0]  }
0x60: {  	v23 =	vld [tilespmem:$0x140];
	v2 =	vadd.f32 $9.010912890e+00, v58  }
0x61: {  	v28 =	vld [tilespmem:$0xD0];
	v0 =	vshrl.u32 v56, $0xD  }
0x62: {  	v31 =	vld [tilespmem:$0x150];
	v22 =	vadd.f32 $9.010912890e+00, v61;
	v0 =	vand.u32 $0x3, v0;
	v1 =	vsub.f32 v57, v2  }
0x63: {  	v37 =	vld [tilespmem:$0x160];
	v3 =	vshrl.u32 v59, $0xD;
	v0 =	vcvt.s32.f32 v0  }
0x64: {  	v43 =	vld [tilespmem:$0x170];
	v27 =	vadd.f32 $9.010912890e+00, v16;
	v26 =	vand.u32 $0x3, v3;
	v25 =	vsub.f32 v60, v22;
	[tilespmem:$0x180] =	vst v1  }
0x65: {  	v40 =	vld [tilespmem:$0xE0];
	v33 =	vadd.f32 $9.010912890e+00, v19;
	v29 =	vcvt.s32.f32 v26;
	[tilespmem:$0x200] =	vst v0  }
0x66: {  	v49 =	vld [tilespmem:$0xF0];
	v39 =	vadd.f32 $9.010912890e+00, v23;
	v32 =	vsub.f32 v63, v27;
	[tilespmem:$0x190] =	vst v25  }
0x67: {  	v20 =	vld [tilespmem:$0x40];
	v45 =	vadd.f32 $9.010912890e+00, v31;
	v38 =	vsub.f32 v18, v33;
	[tilespmem:$0x210] =	vst v29  }
0x68: {  	v24 =	vld [tilespmem:$0x50];
	v51 =	vadd.f32 $9.010912890e+00, v37;
	v44 =	vsub.f32 v21, v39;
	[tilespmem:$0x1A0] =	vst v32  }
0x69: {  	v34 =	vld [tilespmem:$0x60];
	v55 =	vadd.f32 $9.010912890e+00, v43;
	v50 =	vsub.f32 v28, v45;
	[tilespmem:$0x1B0] =	vst v38  }
0x6a: {  	v46 =	vld [tilespmem:$0x70];
	v30 =	vshrl.u32 v62, $0xD;
	v54 =	vsub.f32 v40, v51;
	[tilespmem:$0x1C0] =	vst v44  }
0x6b: {  	v36 =	vshrl.u32 v17, $0xD;
	v2 =	vand.u32 $0x3, v30;
	v58 =	vsub.f32 v49, v55;
	[tilespmem:$0x1D0] =	vst v50  }
0x6c: {  	v42 =	vshrl.u32 v20, $0xD;
	v35 =	vcvt.s32.f32 v2;
	v2 =	vand.u32 $0x3, v36;
	[tilespmem:$0x1E0] =	vst v54  }
0x6d: {  	v48 =	vshrl.u32 v24, $0xD;
	v41 =	vcvt.s32.f32 v2;
	v2 =	vand.u32 $0x3, v42;
	[tilespmem:$0x1F0] =	vst v58  }
0x6e: {  	v53 =	vshrl.u32 v34, $0xD;
	[tilespmem:$0x220] =	vst v35;
	v47 =	vcvt.s32.f32 v2;
	v2 =	vand.u32 $0x3, v48  }
0x6f: {  	v57 =	vshrl.u32 v46, $0xD;
	[tilespmem:$0x230] =	vst v41;
	v52 =	vcvt.s32.f32 v2;
	v2 =	vand.u32 $0x3, v53  }
0x70: {  	[tilespmem:$0x240] =	vst v47;
	v56 =	vcvt.s32.f32 v2;
	v2 =	vand.u32 $0x3, v57  }
0x71: {  	[tilespmem:$0x250] =	vst v52;
	v59 =	vcvt.s32.f32 v2  }
0x72: {  	[tilespmem:$0x260] =	vst v56  }
0x73: {  	[tilespmem:$0x270] =	vst v59  }
0x74: {  	[hbm4b:s9+s4] =	stream.linear.scatter [tilespmem:s19], [sflag:$0x2], $0x80, $0x38;
	[tilespmem:$0x280] =	vst v63  }
0x75: {  	_ =	swait.ge [sflag:s15], $0x80  }
0x76: {  	[sflag:s15] =	ssyncset.done $0x0  }
0x77: {  	[sflag:s15] =	ssyncadd.s32 $0xFFFFFF80  }
0x78: {  	[hbm4b:s10+s4] =	stream.linear.scatter [tilespmem:s20], [sflag:$0x2], $0x80, $0x38;
	[tilespmem:$0x280] =	vst v63  }
0x79: {  	_ =	swait.ge [sflag:s15], $0x80  }
0x7a: {  	[sflag:s15] =	ssyncset.done $0x0  }
0x7b: {  	[sflag:s15] =	ssyncadd.s32 $0xFFFFFF80  }
0x7c: {  	[tilespmem:s4], [sflag:$0x2] =	stream.linear.gather [hbm4b:s11+s4], $0x80, $0x38;
	[tilespmem:$0x280] =	vst v63  }
0x7d: {  	_ =	swait.ge [sflag:s15], $0x80  }
0x7e: {  	[sflag:s15] =	ssyncset.done $0x0  }
0x7f: {  	[sflag:s15] =	ssyncadd.s32 $0xFFFFFF80  }
0x80: {  	[tilespmem:s16], [sflag:$0x1] =	stream.indirect.gather [hbm4b:s1+s16], $0x1, s4, s16, $0xb8;
	[tilespmem:$0x280] =	vst v63  }
0x81: {  	_ =	swait.ge [sflag:s17], $0x80  }
0x82: {  	[sflag:s17] =	ssyncset.done $0x0  }
0x83: {  	[sflag:s17] =	ssyncadd.s32 $0xFFFFFF80  }
0x84: {  	[tilespmem:s18], [sflag:$0x1] =	stream.indirect.gather [hbm4b:s2+s16], $0x1, s4, s16, $0xb8;
	[tilespmem:$0x280] =	vst v63  }
0x85: {  	_ =	swait.ge [sflag:s17], $0x80  }
0x86: {  	[sflag:s17] =	ssyncset.done $0x0  }
0x87: {  	[sflag:s17] =	ssyncadd.s32 $0xFFFFFF80  }
0x88: {  	v60 =	vld [tilespmem:$0x0]  }
0x89: {  	v61 =	vld [tilespmem:$0x80]  }
0x8a: {  	v62 =	vld [tilespmem:$0x100]  }
0x8b: {  	v63 =	vld [tilespmem:$0x10]  }
0x8c: {  	v16 =	vld [tilespmem:$0x90]  }
0x8d: {  	v17 =	vld [tilespmem:$0x110]  }
0x8e: {  	v18 =	vld [tilespmem:$0x20]  }
0x8f: {  	v19 =	vld [tilespmem:$0xA0]  }
0x90: {  	v20 =	vld [tilespmem:$0x120]  }
0x91: {  	v21 =	vld [tilespmem:$0x30]  }
0x92: {  	v22 =	vld [tilespmem:$0xB0]  }
0x93: {  	v23 =	vld [tilespmem:$0x130]  }
0x94: {  	v25 =	vld [tilespmem:$0xC0]  }
0x95: {  	v27 =	vld [tilespmem:$0x140];
	v2 =	vadd.f32 $9.010912890e+00, v62  }
0x96: {  	v32 =	vld [tilespmem:$0xD0];
	v0 =	vshrl.u32 v60, $0xD  }
0x97: {  	v35 =	vld [tilespmem:$0x150];
	v26 =	vadd.f32 $9.010912890e+00, v17;
	v0 =	vand.u32 $0x3, v0;
	v1 =	vsub.f32 v61, v2  }
0x98: {  	v41 =	vld [tilespmem:$0x160];
	v3 =	vshrl.u32 v63, $0xD;
	v0 =	vcvt.s32.f32 v0  }
0x99: {  	v47 =	vld [tilespmem:$0x170];
	v31 =	vadd.f32 $9.010912890e+00, v20;
	v30 =	vand.u32 $0x3, v3;
	v29 =	vsub.f32 v16, v26;
	[tilespmem:$0x180] =	vst v1  }
0x9a: {  	v44 =	vld [tilespmem:$0xE0];
	v37 =	vadd.f32 $9.010912890e+00, v23;
	v33 =	vcvt.s32.f32 v30;
	[tilespmem:$0x200] =	vst v0  }
0x9b: {  	v53 =	vld [tilespmem:$0xF0];
	v43 =	vadd.f32 $9.010912890e+00, v27;
	v36 =	vsub.f32 v19, v31;
	[tilespmem:$0x190] =	vst v29  }
0x9c: {  	v24 =	vld [tilespmem:$0x40];
	v49 =	vadd.f32 $9.010912890e+00, v35;
	v42 =	vsub.f32 v22, v37;
	[tilespmem:$0x210] =	vst v33  }
0x9d: {  	v28 =	vld [tilespmem:$0x50];
	v55 =	vadd.f32 $9.010912890e+00, v41;
	v48 =	vsub.f32 v25, v43;
	[tilespmem:$0x1A0] =	vst v36  }
0x9e: {  	v38 =	vld [tilespmem:$0x60];
	v59 =	vadd.f32 $9.010912890e+00, v47;
	v54 =	vsub.f32 v32, v49;
	[tilespmem:$0x1B0] =	vst v42  }
0x9f: {  	v50 =	vld [tilespmem:$0x70];
	v34 =	vshrl.u32 v18, $0xD;
	v58 =	vsub.f32 v44, v55;
	[tilespmem:$0x1C0] =	vst v48  }
0xa0: {  	v40 =	vshrl.u32 v21, $0xD;
	v2 =	vand.u32 $0x3, v34;
	v62 =	vsub.f32 v53, v59;
	[tilespmem:$0x1D0] =	vst v54  }
0xa1: {  	v46 =	vshrl.u32 v24, $0xD;
	v39 =	vcvt.s32.f32 v2;
	v2 =	vand.u32 $0x3, v40;
	[tilespmem:$0x1E0] =	vst v58  }
0xa2: {  	v52 =	vshrl.u32 v28, $0xD;
	v45 =	vcvt.s32.f32 v2;
	v2 =	vand.u32 $0x3, v46;
	[tilespmem:$0x1F0] =	vst v62  }
0xa3: {  	v57 =	vshrl.u32 v38, $0xD;
	[tilespmem:$0x220] =	vst v39;
	v51 =	vcvt.s32.f32 v2;
	v2 =	vand.u32 $0x3, v52  }
0xa4: {  	v61 =	vshrl.u32 v50, $0xD;
	[tilespmem:$0x230] =	vst v45;
	v56 =	vcvt.s32.f32 v2;
	v2 =	vand.u32 $0x3, v57  }
0xa5: {  	[tilespmem:$0x240] =	vst v51;
	v60 =	vcvt.s32.f32 v2;
	v2 =	vand.u32 $0x3, v61  }
0xa6: {  	[tilespmem:$0x250] =	vst v56;
	v63 =	vcvt.s32.f32 v2  }
0xa7: {  	[tilespmem:$0x260] =	vst v60  }
0xa8: {  	[tilespmem:$0x270] =	vst v63  }
0xa9: {  	[hbm4b:s12+s4] =	stream.linear.scatter [tilespmem:s19], [sflag:$0x2], $0x80, $0x38;
	[tilespmem:$0x280] =	vst v63  }
0xaa: {  	_ =	swait.ge [sflag:s15], $0x80  }
0xab: {  	p0 =	sne.s32 s14, $0x1;
	[sflag:s15] =	ssyncset.done $0x0  }
.Ltmp0:
0xac: {  	[sflag:s15] =	ssyncadd.s32 $0xFFFFFF80;
	(pc) =	sbr.rel @p0 .LBB2_1-.Ltmp0, $4  }
0xad: {  	[hbm4b:s13+s4] =	stream.linear.scatter [tilespmem:s20], [sflag:$0x2], $0x80, $0x38;
	[tilespmem:$0x280] =	vst v63  }
0xae: {  	_ =	swait.ge [sflag:s15], $0x80  }
0xaf: {  	[sflag:s15] =	ssyncset.done $0x0  }
0xb0: {  	s14 =	sadd.s32 $0xFFFFFFFF, s14;
	[sflag:s15] =	ssyncadd.s32 $0xFFFFFF80  }
0xb1: {  	_ =	sfence.sel $0x180000  }
0xb2: {  	[bflag:$0x0] =	sbarrier.arrive $0xFFFF  }
0xb3: {  	p0 =	sne.s32 s3, $0x0;
	_ =	strace $0x9000004A  }
0xb4: {  	s0 =	sadd.s32 @!p0 $0x100000, s0;
	[bflag:$0x2] =	sbarrier.arrive $0xFFFF  }
0xb5: {  	[sflag:s0] =	ssyncadd.tile.s32 @!p0 $0x1;
	_ =	shalt  }
.Lfunc_end2:
_tile_overlayer_lowered:
.L_overlay_start_2:
0xb6: {  	(tag) =	ssettag $0x2  }
0xb7: {  	s0 =	rddreg [dreg:$0x0];
	s2 =	stileid.u32  }
0xb8: {  	s1 =	rddreg [dreg:$0x1];
	p0 =	sne.s32 s2, $0x0  }
0xb9: {  	s3 =	rddreg [dreg:$0x2];
	[bflag:$0x3] =	sbarrier.arrive $0xFFFF;
	s2 =	simm.s32 @!p0 $0x1C02  }
0xba: {  	[timem:s3], [sflag:s2] =	dma.local @!p0 [hbm:s0], s1  }
0xbb: {  	s0 =	simm.s32 @!p0 $0x2  }
0xbc: {  	_ =	swait.ge @!p0 [sflag:s0], s1  }
0xbd: {  	s1 =	ssub.s32 @!p0 $0x0, s1;
	[sflag:s0] =	ssyncset.done @!p0 $0x0  }
0xbe: {  	[sflag:s0] =	ssyncadd.s32 @!p0 s1  }
0xbf: {  	[bflag:$0x3] =	sbarrier.arrive $0xFFFF  }
0xc0: {  	_ =	shalt  }

// kernel: kernel.9.cloned.1.call-start
scs
__scs_entry_jumppad:
0x0: {  	(pc) =	sbr.rel $0x88, $3  }
0x1: {  	(tag) =	ssettag $0x0;
	lr =	simm.s32 $0x1  }
0x2: {  	[smem:$0x3F9B] =	sst lr;
	_ =	strace $0xD0000000  }
0x3: {  	_ = 	snop  }
0x4: {  	_ = 	snop  }
0x5: {  	_ = 	snop  }
0x6: {  	_ = 	snop  }
0x7: {  	_ = 	snop  }
__scs_overlays_trampoline_lowered:
0x8: {  	[smem:$0x3FAA] =	sst s0  }
0x9: {  	[smem:$0x3FAB] =	sst s1  }
0xa: {  	[smem:$0x3FAC] =	sst s2  }
0xb: {  	[smem:$0x3FAD] =	sst s3  }
0xc: {  	[smem:$0x3FAE] =	sst s4  }
0xd: {  	[smem:$0x3FAF] =	sst s5  }
0xe: {  	[smem:$0x3FB0] =	sst s6  }
0xf: {  	[smem:$0x3FB1] =	sst s7  }
0x10: {  	[smem:$0x3FB2] =	sst s8  }
0x11: {  	[smem:$0x3FB3] =	sst s9;
	s0 =	simm.s32 @!p0 $0x0  }
0x12: {  	s1 =	sld [smem:$0x3F99];
	s0 =	simm.s32 @p0 $0x1  }
0x13: {  	[smem:$0x3FB4] =	sst s0;
	s0 =	simm.s32 @!p1 $0x0  }
0x14: {  	s2 =	sld [smem:$0x3F98];
	s0 =	simm.s32 @p1 $0x1  }
0x15: {  	[smem:$0x3FB5] =	sst s0;
	s0 =	simm.s32 @!p2 $0x0  }
0x16: {  	s3 =	sld [smem:$0x3FDB];
	s0 =	simm.s32 @p2 $0x1  }
0x17: {  	s4 =	simm.s32 $0x1BF5;
	[smem:$0x3FB7] =	sst s0  }
0x18: {  	s0 =	sld [smem:$0x3F9A];
	_ =	swait.ge [sflag:s4], $0x0  }
0x19: {  	s7 =	sld [smem:$0x3F9B]  }
0x1a: {  	s8 =	sadd.s32 $0xFFFFE003, lr  }
0x1b: {  	s9 =	sadd.s32 $0xFFFFFEF7, lr;
	s5 =	simm.s32 $0xFFFFFFFF;
	p2 =	slt.u32 s8, $0xFFFFF086  }
0x1c: {  	p1 =	slt.u32 s9, $0xF7A;
	s5 =	simm.s32 @!p2 $0x0  }
0x1d: {  	s5 =	simm.s32 @p1 $0x1;
	p0 =	seq.s32 s7, s2  }
0x1e: {  	s7 =	smul.u32 @!p0 $0xF7A, s2;
	p2 =	seq.s32 @!p0 s5, $0x0  }
0x1f: {  	s9 =	smul.u32 $0xF7A, s1;
	s8 =	simm.s32 @!p0 $0x1BF5;
	p2 =	por !p2, p0  }
0x20: {  	[sflag:s8] =	ssyncset.s32 @!p0 $0xFFFFF086;
	s6 =	sadd.s32 @!p0 s3, s7;
	s7 =	simm.s32 @!p0 $0x108  }
0x21: {  	s3 =	sadd.s32 s3, s9;
	s6 =	sadd.s32 @!p0 $0x88, s6;
	s7 =	simm.s32 @p2 $0x1082  }
0x22: {  	[simem:s7], [sflag:s8] =	dma.local @!p0 [hbm:s6], $0xF7A  }
0x23: {  	s9 =	sor.u32 $0xD0000000, s2;
	s6 =	simm.s32 $0x108;
	_ =	swait.ge @!p0 [sflag:s8], $0x0  }
0x24: {  	s3 =	sadd.s32 $0x88, s3;
	s6 =	simm.s32 @!p1 $0x1082;
	[sflag:s4] =	ssyncset.s32 $0xFFFFF086  }
0x25: {  	[simem:s6], [sflag:s4] =	dma.local [hbm:s3], $0xF7A  }
0x26: {  	[smem:$0x3F9B] =	sst s1;
	(tag) =	ssettag s2;
	_ =	strace s9  }
0x27: {  	s1 =	sld [smem:$0x3FAB]  }
0x28: {  	s2 =	sld [smem:$0x3FAC]  }
0x29: {  	s4 =	sld [smem:$0x3FAE]  }
0x2a: {  	p0 =	seq.s32 s5, $0x0;
	s5 =	sld [smem:$0x3FAF]  }
0x2b: {  	s6 =	sld [smem:$0x3FB0]  }
0x2c: {  	s7 =	sld [smem:$0x3FB1]  }
0x2d: {  	s3 =	simm.s32 $0x108;
	s8 =	sld [smem:$0x3FB2]  }
0x2e: {  	s3 =	simm.s32 @!p0 $0x1082;
	s9 =	sld [smem:$0x3FB3]  }
0x2f: {  	lr =	sadd.s32 s0, s3;
	s0 =	sld [smem:$0x3FAA]  }
0x30: {  	s3 =	sld [smem:$0x3FAD]  }
0x31: {  	[smem:$0x3FB6] =	sst s10  }
0x32: {  	s10 =	sld [smem:$0x3FB4];
	_ =	sdelay $0x3  }
0x33: {  	p0 =	seq.s32 s10, $0x1;
	s10 =	sld [smem:$0x3FB6];
	_ =	sdelay $0x3  }
0x34: {  	[smem:$0x3FB6] =	sst s10  }
0x35: {  	s10 =	sld [smem:$0x3FB5];
	_ =	sdelay $0x3  }
0x36: {  	p1 =	seq.s32 s10, $0x1;
	s10 =	sld [smem:$0x3FB6];
	_ =	sdelay $0x3  }
0x37: {  	[smem:$0x3FB6] =	sst s10  }
0x38: {  	s10 =	sld [smem:$0x3FB7]  }
0x39: {  	_ = 	snop;
	(pc) =	sbr.ind lr, $3  }
0x3a: {  	_ = 	snop  }
0x3b: {  	_ = 	snop  }
0x3c: {  	p2 =	seq.s32 s10, $0x1;
	s10 =	sld [smem:$0x3FB6]  }
0x3d: {  	_ =	shalt  }
0x3e: {  	_ =	shalt  }
0x3f: {  	_ =	shalt  }
0x40: {  	_ =	shalt  }
0x41: {  	_ =	shalt  }
0x42: {  	_ =	shalt  }
0x43: {  	_ =	shalt  }
0x44: {  	_ =	shalt  }
0x45: {  	_ =	shalt  }
0x46: {  	_ =	shalt  }
0x47: {  	_ =	shalt  }
0x48: {  	_ =	shalt  }
0x49: {  	_ =	shalt  }
0x4a: {  	_ =	shalt  }
0x4b: {  	_ =	shalt  }
0x4c: {  	_ =	shalt  }
0x4d: {  	_ =	shalt  }
0x4e: {  	_ =	shalt  }
0x4f: {  	_ =	shalt  }
0x50: {  	_ =	shalt  }
0x51: {  	_ =	shalt  }
0x52: {  	_ =	shalt  }
0x53: {  	_ =	shalt  }
0x54: {  	_ =	shalt  }
0x55: {  	_ =	shalt  }
0x56: {  	_ =	shalt  }
0x57: {  	_ =	shalt  }
0x58: {  	_ =	shalt  }
0x59: {  	_ =	shalt  }
0x5a: {  	_ =	shalt  }
0x5b: {  	_ =	shalt  }
0x5c: {  	_ =	shalt  }
0x5d: {  	_ =	shalt  }
0x5e: {  	_ =	shalt  }
0x5f: {  	_ =	shalt  }
0x60: {  	_ =	shalt  }
0x61: {  	_ =	shalt  }
0x62: {  	_ =	shalt  }
0x63: {  	_ =	shalt  }
0x64: {  	_ =	shalt  }
0x65: {  	_ =	shalt  }
0x66: {  	_ =	shalt  }
0x67: {  	_ =	shalt  }
0x68: {  	_ =	shalt  }
0x69: {  	_ =	shalt  }
0x6a: {  	_ =	shalt  }
0x6b: {  	_ =	shalt  }
0x6c: {  	_ =	shalt  }
0x6d: {  	_ =	shalt  }
0x6e: {  	_ =	shalt  }
0x6f: {  	_ =	shalt  }
0x70: {  	_ =	shalt  }
0x71: {  	_ =	shalt  }
0x72: {  	_ =	shalt  }
0x73: {  	_ =	shalt  }
0x74: {  	_ =	shalt  }
0x75: {  	_ =	shalt  }
0x76: {  	_ =	shalt  }
0x77: {  	_ =	shalt  }
0x78: {  	_ =	shalt  }
0x79: {  	_ =	shalt  }
0x7a: {  	_ =	shalt  }
0x7b: {  	_ =	shalt  }
0x7c: {  	_ =	shalt  }
0x7d: {  	_ =	shalt  }
0x7e: {  	_ =	shalt  }
0x7f: {  	_ =	shalt  }
0x80: {  	_ =	shalt  }
0x81: {  	_ =	shalt  }
0x82: {  	_ =	shalt  }
0x83: {  	_ =	shalt  }
0x84: {  	_ =	shalt  }
0x85: {  	_ =	shalt  }
0x86: {  	_ =	shalt  }
0x87: {  	_ =	shalt  }
.Lfunc_end0:
.L_simem_size_0:
called_computation.1_lowered:
.L_overlay_start_0:
0x88: {  	s2 =	sld [smem:$0x3FD9]  }
0x89: {  	s3 =	sld [smem:$0x3FFE];
	_ =	sdelay $0x1  }
0x8a: {  	s1 =	srdreg.scid  }
0x8b: {  	s0 =	sand.u32 $0x1, s1  }
0x8c: {  	s17 =	sshll.u32 s0, $0xA;
	s2 =	sadd.s32 s3, s2  }
0x8d: {  	s2 =	sadd.s32 s2, s17  }
0x8e: {  	[smem:$0x3FC2] =	sst s2  }
0x8f: {  	_ = 	snop  }
0x90: {  	s2 =	sld [smem:$0x3FC8]  }
0x91: {  	s18 =	sld [smem:$0x3FC7]  }
0x92: {  	s4 =	sld [smem:$0x3FD0];
	(tm) =	ssettm $0x1  }
0x93: {  	s5 =	sld [smem:$0x3FFB];
	_ =	sdelay $0x3  }
0x94: {  	_ =	strace s5  }
0x95: {  	s5 =	sld [smem:$0x3FFC];
	_ =	sdelay $0x3  }
0x96: {  	_ =	strace s5  }
0x97: {  	s5 =	sld [smem:$0x3FFD];
	_ =	sdelay $0x3  }
0x98: {  	_ =	strace s5  }
0x99: {  	_ =	strace $0x8FFFFFFF  }
0x9a: {  	s19 =	sld [smem:$0x3FDB];
	_ =	sdelay $0x1  }
0x9b: {  	s6 =	simm.s32 $_scs_section_size  }
0x9c: {  	s7 =	simm.s32 $_size__tile_overlayer_lowered;
	s8 =	simm.s32 $_tile_overlayer_lowered  }
0x9d: {  	s22 =	simm.s32 $0x1BFF;
	s21 =	sshll.u32 s8, $0x1;
	s5 =	sadd.s32 s6, s19  }
0x9e: {  	s9 =	simm.s32 $0x0;
	s20 =	sshll.u32 s7, $0x1;
	s7 =	sadd.s32 s21, s5  }
0x9f: {  	[timem:s9], [sflag:s22] =	dma.local [hbm:s7], s20  }
0xa0: {  	_ =	swait.ge [sflag:s22], s20  }
0xa1: {  	s6 =	ssub.s32 $0x0, s20;
	[sflag:s22] =	ssyncset.done $0x0  }
0xa2: {  	[sflag:s22] =	ssyncadd.s32 s6;
	_ =	sdelay $0x1  }
0xa3: {  	s23 =	simm.s32 $0x1B8B  }
0xa4: {  	_ =	swait.ge [sflag:s23], $0x1  }
0xa5: {  	[sflag:s23] =	ssyncset.done $0x0  }
0xa6: {  	s25 =	simm.s32 $0x1B8E;
	s24 =	sld [smem:$0x3FFE];
	[sflag:s23] =	ssyncadd.s32 $0xFFFFFFFF  }
0xa7: {  	s26 =	simm.s32 $execute0_lowered;
	[smem:$0x3FD2] =	sst s25  }
0xa8: {  	s7 =	sshll.u32 s26, $0x1;
	_ =	strace $0x80000046;
	[dreg:$0x1] =	wrdreg $0xFFFFFFFF  }
0xa9: {  	s28 =	simm.s32 $_size_execute0_lowered;
	s5 =	sadd.s32 s5, s7;
	[dreg:$0x0] =	wrdreg $0x0  }
0xaa: {  	s7 =	sshll.u32 s28, $0x1;
	[dreg:$0x2] =	wrdreg s5  }
0xab: {  	[dreg:$0x3] =	wrdreg s7  }
0xac: {  	[dreg:$0x4] =	wrdreg $0xC0  }
0xad: {  	_ =	task [dreg:s9], $0x5FFFF  }
0xae: {  	[dreg:$0x1] =	wrdreg $0xFFFFFFFF  }
0xaf: {  	[dreg:$0x0] =	wrdreg $0x60  }
0xb0: {  	[dreg:$0x2] =	wrdreg s24  }
0xb1: {  	[dreg:$0x3] =	wrdreg s2  }
0xb2: {  	[dreg:$0x4] =	wrdreg s18  }
0xb3: {  	[dreg:$0x5] =	wrdreg s4  }
0xb4: {  	[dreg:$0x6] =	wrdreg $0xA  }
0xb5: {  	_ =	task.clear_ibuf [dreg:s9], $0x7FFFF;
	_ =	strace $0x90000046  }
0xb6: {  	s29 =	simm.s32 $0xA;
	_ =	strace $0x80000048  }
0xb7: {  	_ =	swait.ge [sflag:s29], $0x1  }
0xb8: {  	[sflag:s29] =	ssyncadd.s32 $0xFFFFFFFF  }
0xb9: {  	_ =	strace $0x90000048  }
0xba: {  	_ =	sfence  }
0xbb: {  	s30 =	sld [smem:$0x0];
	_ =	sdelay $0x2  }
0xbc: {  	s31 =	sshll.u32 s1, $0xD;
	s1 =	sshrl.u32 s1, $0x2  }
0xbd: {  	s3 =	sand.u32 $0x4000, s31;
	s1 =	sadd.s32 s1, s30  }
0xbe: {  	s0 =	sor.u32 s3, s0;
	s1 =	sshll.u32 s1, $0x11  }
0xbf: {  	s0 =	sor.u32 s1, s0  }
0xc0: {  	s0 =	sadd.s32 $0x8F2B, s0  }
0xc1: {  	[sflag:s0] =	ssyncadd.remote.s32 $0x1  }
0xc2: {  	_ =	sfence.sel $0xFFFF  }
0xc3: {  	[dreg:$0x0] =	wrdreg $0xFFFFFFFF;
	(pc) =	sbr.abs _section_cstart, $3  }
0xc4: {  	[dreg:$0x1] =	wrdreg $0xFFFFFFFF  }
0xc5: {  	_ =	task.clear_ibuf [dreg:s9], $0x2FFFF;
	_ =	strace $0x9FFFFFFF  }
0xc6: {  	(tm) =	ssettm $0x7FFFFFFF  }
0xc7: {  	_ =	shalt  }
tec
execute0_lowered:
.L_overlay_start_1:
0x0: {  	(tag) =	ssettag $0x1  }
0x1: {  	s4 =	rddreg [dreg:$0x0]  }
0x2: {  	s5 =	rddreg [dreg:$0x1]  }
0x3: {  	s8 =	rddreg [dreg:$0x2]  }
0x4: {  	s9 =	rddreg [dreg:$0x3]  }
0x5: {  	s0 =	rddreg [dreg:$0x4];
	s2 =	simm.s32 $0x0;
	s3 =	srdreg.scid  }
0x6: {  	s1 =	stileid.u32;
	s13 =	simm.s32 $0x100;
	s14 =	simm.s32 $0x1  }
0x7: {  	[smem:$0x7FF] =	sst s2;
	s6 =	sand.u32 $0x1, s3;
	s24 =	sshll.u32 s1, $0x1  }
0x8: {  	s3 =	sadd.s32 $0x1800, s4;
	s7 =	sor.u32 s6, s24;
	s6 =	ssub.s32 $0x2, s6  }
0x9: {  	_ =	strace $0x80000047;
	s10 =	sshll.u32 s7, $0xB;
	s25 =	sshrl.u32 s6, $0x1  }
0xa: {  	s11 =	sshll.u32 s7, $0x4;
	s26 =	sshll.u32 s7, $0x8;
	s28 =	sshll.u32 s7, $0x5  }
0xb: {  	s7 =	sshll.u32 s7, $0xC;
	s10 =	sadd.s32 s10, s4;
	s12 =	ssub.s32 s6, s25  }
0xc: {  	s4 =	sadd.s32 s5, s11;
	s29 =	sor.u32 $0x80, s26;
	s6 =	sadd.s32 s8, s28  }
0xd: {  	s7 =	sadd.s32 s9, s7;
	s11 =	simm.s32 $0x2;
	s5 =	sadd.s32 $0x403C00, s10  }
0xe: {  	s30 =	sshrl.u32 s29, $0x3;
	s31 =	sshll.u32 s29, $0x4;
	s10 =	smax.u32 s12, $0x1  }
0xf: {  	s12 =	simm.s32 $0x80;
	s8 =	sadd.s32 s8, s30;
	s9 =	sadd.s32 s9, s31  }
.LBB2_1:
0x10: {  	[tilespmem:s2], [sflag:$0x2] =	stream.linear.gather [hbm4b:s4+s2], $0x80, $0x38;
	[tilespmem:$0x4100] =	vst v63  }
0x11: {  	_ =	swait.ge [sflag:s11], $0x80  }
0x12: {  	[sflag:s11] =	ssyncset.done $0x0  }
0x13: {  	[sflag:s11] =	ssyncadd.s32 $0xFFFFFF80  }
0x14: {  	v0 =	vld [tilespmem:$0x0]  }
0x15: {  	v1 =	vld [tilespmem:$0x10]  }
0x16: {  	v2 =	vld [tilespmem:$0x20]  }
0x17: {  	v3 =	vld [tilespmem:$0x30]  }
0x18: {  	v5 =	vld [tilespmem:$0x40]  }
0x19: {  	v7 =	vld [tilespmem:$0x50]  }
0x1a: {  	v4 =	vshrl.u32 v0, $0x2  }
0x1b: {  	v44 =	vld [tilespmem:$0x70];
	v0 =	vand.u32 $0x1FFF, v0;
	v6 =	vshrl.u32 v1, $0x2;
	v42 =	vshrl.u32 v2, $0x2  }
0x1c: {  	v1 =	vand.u32 $0x1FFF, v1;
	v2 =	vand.u32 $0x1FFF, v2;
	v43 =	vshrl.u32 v3, $0x2  }
0x1d: {  	v3 =	vand.u32 $0x1FFF, v3;
	v46 =	vshrl.u32 v5, $0x2;
	v4 =	vand.u32 $0x3FFFE000, v4  }
0x1e: {  	v8 =	vld [tilespmem:$0x60];
	v48 =	vshrl.u32 v7, $0x2;
	v41 =	vand.u32 $0x3FFFE000, v6;
	v0 =	vor.u32 v0, v4  }
0x1f: {  	v49 =	vand.u32 $0x1FFF, v5;
	v6 =	vand.u32 $0x3FFFE000, v42;
	v1 =	vor.u32 v1, v41;
	[tilespmem:$0x80] =	vst v0  }
0x20: {  	v56 =	vshrl.u32 v44, $0x2;
	v47 =	vand.u32 $0x3FFFE000, v46;
	v2 =	vor.u32 v2, v6;
	[tilespmem:$0x90] =	vst v1  }
0x21: {  	v58 =	vand.u32 $0x1FFF, v44;
	v57 =	vand.u32 $0x3FFFE000, v56;
	v51 =	vor.u32 v49, v47;
	[tilespmem:$0xA0] =	vst v2  }
0x22: {  	v50 =	vand.u32 $0x1FFF, v7;
	v45 =	vand.u32 $0x3FFFE000, v43;
	v59 =	vor.u32 v58, v57;
	[tilespmem:$0xC0] =	vst v51  }
0x23: {  	v53 =	vshrl.u32 v8, $0x2;
	v0 =	vor.u32 v3, v45;
	v3 =	vand.u32 $0x3FFFE000, v48;
	[tilespmem:$0xF0] =	vst v59  }
0x24: {  	v55 =	vand.u32 $0x1FFF, v8;
	v54 =	vand.u32 $0x3FFFE000, v53;
	[tilespmem:$0xB0] =	vst v0;
	v52 =	vor.u32 v50, v3  }
0x25: {  	v0 =	vor.u32 v55, v54;
	[tilespmem:$0xD0] =	vst v52  }
0x26: {  	[tilespmem:$0xE0] =	vst v0  }
0x27: {  	[tilespmem:s13], [sflag:$0x1] =	stream.indirect.gather [hbm4b:s3+s12], $0x80, s12, s12, $0xb8;
	[tilespmem:$0x4100] =	vst v63  }
0x28: {  	_ =	swait.ge [sflag:s14], $0x4000  }
0x29: {  	[sflag:s14] =	ssyncset.done $0x0  }
0x2a: {  	[sflag:s14] =	ssyncadd.s32 $0xFFFFC000  }
0x2b: {  	[hbm4b:s5+s2] =	stream.linear.scatter [tilespmem:s13], [sflag:$0x2], $0x4000, $0x38;
	[tilespmem:$0x4100] =	vst v63  }
0x2c: {  	_ =	swait.ge [sflag:s11], $0x4000  }
0x2d: {  	[sflag:s11] =	ssyncset.done $0x0  }
0x2e: {  	[sflag:s11] =	ssyncadd.s32 $0xFFFFC000  }
0x2f: {  	[tilespmem:s2], [sflag:$0x2] =	stream.linear.gather [hbm4b:s6+s2], $0x80, $0x38;
	[tilespmem:$0x4100] =	vst v63  }
0x30: {  	_ =	swait.ge [sflag:s11], $0x80  }
0x31: {  	[sflag:s11] =	ssyncset.done $0x0  }
0x32: {  	[sflag:s11] =	ssyncadd.s32 $0xFFFFFF80  }
0x33: {  	v60 =	vld [tilespmem:$0x0]  }
0x34: {  	v61 =	vld [tilespmem:$0x10]  }
0x35: {  	v62 =	vld [tilespmem:$0x20]  }
0x36: {  	v63 =	vld [tilespmem:$0x30]  }
0x37: {  	v13 =	vld [tilespmem:$0x40]  }
0x38: {  	v15 =	vld [tilespmem:$0x50]  }
0x39: {  	v12 =	vshrl.u32 v60, $0x2  }
0x3a: {  	v20 =	vld [tilespmem:$0x70];
	v0 =	vand.u32 $0x1FFF, v60;
	v14 =	vshrl.u32 v61, $0x2;
	v17 =	vshrl.u32 v62, $0x2  }
0x3b: {  	v1 =	vand.u32 $0x1FFF, v61;
	v2 =	vand.u32 $0x1FFF, v62;
	v19 =	vshrl.u32 v63, $0x2  }
0x3c: {  	v3 =	vand.u32 $0x1FFF, v63;
	v22 =	vshrl.u32 v13, $0x2;
	v4 =	vand.u32 $0x3FFFE000, v12  }
0x3d: {  	v18 =	vld [tilespmem:$0x60];
	v24 =	vshrl.u32 v15, $0x2;
	v16 =	vand.u32 $0x3FFFE000, v14;
	v0 =	vor.u32 v0, v4  }
0x3e: {  	v25 =	vand.u32 $0x1FFF, v13;
	v6 =	vand.u32 $0x3FFFE000, v17;
	v1 =	vor.u32 v1, v16;
	[tilespmem:$0x80] =	vst v0  }
0x3f: {  	v32 =	vshrl.u32 v20, $0x2;
	v23 =	vand.u32 $0x3FFFE000, v22;
	v2 =	vor.u32 v2, v6;
	[tilespmem:$0x90] =	vst v1  }
0x40: {  	v34 =	vand.u32 $0x1FFF, v20;
	v33 =	vand.u32 $0x3FFFE000, v32;
	v27 =	vor.u32 v25, v23;
	[tilespmem:$0xA0] =	vst v2  }
0x41: {  	v26 =	vand.u32 $0x1FFF, v15;
	v21 =	vand.u32 $0x3FFFE000, v19;
	v35 =	vor.u32 v34, v33;
	[tilespmem:$0xC0] =	vst v27  }
0x42: {  	v29 =	vshrl.u32 v18, $0x2;
	v0 =	vor.u32 v3, v21;
	v3 =	vand.u32 $0x3FFFE000, v24;
	[tilespmem:$0xF0] =	vst v35  }
0x43: {  	v31 =	vand.u32 $0x1FFF, v18;
	v30 =	vand.u32 $0x3FFFE000, v29;
	[tilespmem:$0xB0] =	vst v0;
	v28 =	vor.u32 v26, v3  }
0x44: {  	v0 =	vor.u32 v31, v30;
	[tilespmem:$0xD0] =	vst v28  }
0x45: {  	[tilespmem:$0xE0] =	vst v0  }
0x46: {  	[tilespmem:s13], [sflag:$0x1] =	stream.indirect.gather [hbm4b:s3+s12], $0x80, s12, s12, $0xb8;
	[tilespmem:$0x4100] =	vst v63  }
0x47: {  	_ =	swait.ge [sflag:s14], $0x4000  }
0x48: {  	[sflag:s14] =	ssyncset.done $0x0  }
0x49: {  	[sflag:s14] =	ssyncadd.s32 $0xFFFFC000  }
0x4a: {  	[hbm4b:s7+s2] =	stream.linear.scatter [tilespmem:s13], [sflag:$0x2], $0x4000, $0x38;
	[tilespmem:$0x4100] =	vst v63  }
0x4b: {  	_ =	swait.ge [sflag:s11], $0x4000  }
0x4c: {  	[sflag:s11] =	ssyncset.done $0x0  }
0x4d: {  	[sflag:s11] =	ssyncadd.s32 $0xFFFFC000  }
0x4e: {  	[tilespmem:s2], [sflag:$0x2] =	stream.linear.gather [hbm4b:s8+s2], $0x80, $0x38;
	[tilespmem:$0x4100] =	vst v63  }
0x4f: {  	_ =	swait.ge [sflag:s11], $0x80  }
0x50: {  	[sflag:s11] =	ssyncset.done $0x0  }
0x51: {  	[sflag:s11] =	ssyncadd.s32 $0xFFFFFF80  }
0x52: {  	v36 =	vld [tilespmem:$0x0]  }
0x53: {  	v37 =	vld [tilespmem:$0x10]  }
0x54: {  	v38 =	vld [tilespmem:$0x20]  }
0x55: {  	v39 =	vld [tilespmem:$0x30]  }
0x56: {  	v41 =	vld [tilespmem:$0x40]  }
0x57: {  	v43 =	vld [tilespmem:$0x50]  }
0x58: {  	v40 =	vshrl.u32 v36, $0x2  }
0x59: {  	v48 =	vld [tilespmem:$0x70];
	v0 =	vand.u32 $0x1FFF, v36;
	v42 =	vshrl.u32 v37, $0x2;
	v45 =	vshrl.u32 v38, $0x2  }
0x5a: {  	v1 =	vand.u32 $0x1FFF, v37;
	v2 =	vand.u32 $0x1FFF, v38;
	v47 =	vshrl.u32 v39, $0x2  }
0x5b: {  	v3 =	vand.u32 $0x1FFF, v39;
	v50 =	vshrl.u32 v41, $0x2;
	v4 =	vand.u32 $0x3FFFE000, v40  }
0x5c: {  	v46 =	vld [tilespmem:$0x60];
	v52 =	vshrl.u32 v43, $0x2;
	v44 =	vand.u32 $0x3FFFE000, v42;
	v0 =	vor.u32 v0, v4  }
0x5d: {  	v53 =	vand.u32 $0x1FFF, v41;
	v6 =	vand.u32 $0x3FFFE000, v45;
	v1 =	vor.u32 v1, v44;
	[tilespmem:$0x80] =	vst v0  }
0x5e: {  	v60 =	vshrl.u32 v48, $0x2;
	v51 =	vand.u32 $0x3FFFE000, v50;
	v2 =	vor.u32 v2, v6;
	[tilespmem:$0x90] =	vst v1  }
0x5f: {  	v62 =	vand.u32 $0x1FFF, v48;
	v61 =	vand.u32 $0x3FFFE000, v60;
	v55 =	vor.u32 v53, v51;
	[tilespmem:$0xA0] =	vst v2  }
0x60: {  	v54 =	vand.u32 $0x1FFF, v43;
	v49 =	vand.u32 $0x3FFFE000, v47;
	v63 =	vor.u32 v62, v61;
	[tilespmem:$0xC0] =	vst v55  }
0x61: {  	v57 =	vshrl.u32 v46, $0x2;
	v0 =	vor.u32 v3, v49;
	v3 =	vand.u32 $0x3FFFE000, v52;
	[tilespmem:$0xF0] =	vst v63  }
0x62: {  	v59 =	vand.u32 $0x1FFF, v46;
	v58 =	vand.u32 $0x3FFFE000, v57;
	[tilespmem:$0xB0] =	vst v0;
	v56 =	vor.u32 v54, v3  }
0x63: {  	v0 =	vor.u32 v59, v58;
	[tilespmem:$0xD0] =	vst v56  }
0x64: {  	[tilespmem:$0xE0] =	vst v0  }
0x65: {  	[tilespmem:s13], [sflag:$0x1] =	stream.indirect.gather [hbm4b:s3+s12], $0x80, s12, s12, $0xb8;
	[tilespmem:$0x4100] =	vst v63  }
0x66: {  	_ =	swait.ge [sflag:s14], $0x4000  }
0x67: {  	p0 =	sne.s32 s10, $0x1;
	[sflag:s14] =	ssyncset.done $0x0  }
.Ltmp0:
0x68: {  	[sflag:s14] =	ssyncadd.s32 $0xFFFFC000;
	(pc) =	sbr.rel @p0 .LBB2_1-.Ltmp0, $4  }
0x69: {  	[hbm4b:s9+s2] =	stream.linear.scatter [tilespmem:s13], [sflag:$0x2], $0x4000, $0x38;
	[tilespmem:$0x4100] =	vst v63  }
0x6a: {  	_ =	swait.ge [sflag:s11], $0x4000  }
0x6b: {  	[sflag:s11] =	ssyncset.done $0x0  }
0x6c: {  	s10 =	sadd.s32 $0xFFFFFFFF, s10;
	[sflag:s11] =	ssyncadd.s32 $0xFFFFC000  }
0x6d: {  	_ =	sfence.sel $0x180000  }
0x6e: {  	[bflag:$0x0] =	sbarrier.arrive $0xFFFF  }
0x6f: {  	p0 =	sne.s32 s1, $0x0;
	_ =	strace $0x90000047  }
0x70: {  	s0 =	sadd.s32 @!p0 $0x100000, s0;
	[bflag:$0x2] =	sbarrier.arrive $0xFFFF  }
0x71: {  	[sflag:s0] =	ssyncadd.tile.s32 @!p0 $0x1;
	_ =	shalt  }
.Lfunc_end2:
_tile_overlayer_lowered:
.L_overlay_start_2:
0x72: {  	(tag) =	ssettag $0x2  }
0x73: {  	s0 =	rddreg [dreg:$0x0];
	s2 =	stileid.u32  }
0x74: {  	s1 =	rddreg [dreg:$0x1];
	p0 =	sne.s32 s2, $0x0  }
0x75: {  	s3 =	rddreg [dreg:$0x2];
	[bflag:$0x3] =	sbarrier.arrive $0xFFFF;
	s2 =	simm.s32 @!p0 $0x1C02  }
0x76: {  	[timem:s3], [sflag:s2] =	dma.local @!p0 [hbm:s0], s1  }
0x77: {  	s0 =	simm.s32 @!p0 $0x2  }
0x78: {  	_ =	swait.ge @!p0 [sflag:s0], s1  }
0x79: {  	s1 =	ssub.s32 @!p0 $0x0, s1;
	[sflag:s0] =	ssyncset.done @!p0 $0x0  }
0x7a: {  	[sflag:s0] =	ssyncadd.s32 @!p0 s1  }
0x7b: {  	[bflag:$0x3] =	sbarrier.arrive $0xFFFF  }
0x7c: {  	_ =	shalt  }

</sc_bundles>
